<compile_context>
chip_gen: v7x
topology: tpu7x:2x2x1
jax: 0.10.2.dev20260603
libtpu: 0.0.44.dev20260713+nightly
codegen_flags: <defaults>
</compile_context>

<pallas_src>
import jax
import jax.numpy as jnp
from jax import lax
from jax.experimental import pallas as pl
from jax.experimental.pallas import tpu as pltpu
from jax.experimental.pallas import tpu_sc as plsc

N_NODES = 10000
D = 128
E = 320000
CHUNK = 128
NC = 2
NS = 16
NW = NC * NS
N_CHUNKS = E // CHUNK
BASE_J = N_CHUNKS // NW
REM = N_CHUNKS - BASE_J * NW
E_W = E // NW
N_PAD = 10240
ROWS_PER_TILE = N_PAD // NS
ZROWS = 32


def _make_sc_agg():
    mesh = plsc.VectorSubcoreMesh(core_axis_name="c", subcore_axis_name="s")

    out_type = jax.ShapeDtypeStruct((NC, N_PAD, D), jnp.float32)
    scratch = [
        pltpu.VMEM((1, CHUNK), jnp.int32),
        pltpu.VMEM((1, CHUNK), jnp.int32),
        pltpu.VMEM((CHUNK, D), jnp.float32),
        pltpu.VMEM((ZROWS, D), jnp.float32),
        pltpu.VMEM_SHARED((N_PAD, D), jnp.float32),
    ]

    def body(feat, src, dst, out_acc, idx_s, idx_d, rows, zbuf, acc_sh):
        cid = lax.axis_index("c")
        sid = lax.axis_index("s")
        wid = sid * NC + cid

        zv = jnp.zeros((16,), jnp.float32)

        def zfill(r, carry):
            for c in range(D // 16):
                zbuf[r, pl.ds(c * 16, 16)] = zv
            return carry

        lax.fori_loop(0, ZROWS, zfill, 0)
        r0 = sid * ROWS_PER_TILE

        def zero_body(t, carry):
            pltpu.sync_copy(zbuf, acc_sh.at[pl.ds(r0 + t * ZROWS, ZROWS)])
            return carry

        lax.fori_loop(0, ROWS_PER_TILE // ZROWS, zero_body, 0)
        plsc.subcore_barrier()

        nj = BASE_J + jnp.where(wid < REM, 1, 0)

        def chunk_body(j, carry):
            off = (j * NW + wid) * CHUNK
            pltpu.sync_copy(src.at[pl.ds(off, CHUNK)], idx_s.at[0])
            pltpu.sync_copy(dst.at[pl.ds(off, CHUNK)], idx_d.at[0])
            pltpu.sync_copy(feat.at[idx_s.at[0]], rows)
            pltpu.sync_copy(rows, acc_sh.at[idx_d.at[0]], add=True)
            return carry

        lax.fori_loop(0, nj, chunk_body, 0)
        plsc.subcore_barrier()

        pltpu.sync_copy(acc_sh.at[pl.ds(r0, ROWS_PER_TILE)],
                        out_acc.at[cid, pl.ds(r0, ROWS_PER_TILE)])

    return pl.kernel(body, out_type=out_type, mesh=mesh,
                     scratch_types=scratch)


def _make_sc_deg():
    mesh = plsc.VectorSubcoreMesh(core_axis_name="c", subcore_axis_name="s")

    out_type = jax.ShapeDtypeStruct((NC, 8, N_PAD), jnp.float32)
    COLS = N_PAD // NS
    scratch = [
        pltpu.VMEM((E_W,), jnp.int32),
        pltpu.VMEM((N_PAD,), jnp.float32),
        pltpu.VMEM((NS * COLS,), jnp.float32),
        pltpu.VMEM((COLS,), jnp.float32),
        pltpu.VMEM_SHARED((NS * N_PAD,), jnp.float32),
    ]

    def body(dst, out_deg, slab_d, hist, red, obuf, deg_sh):
        cid = lax.axis_index("c")
        sid = lax.axis_index("s")
        wid = sid * NC + cid

        pltpu.sync_copy(dst.at[pl.ds(wid * E_W, E_W)], slab_d)

        zv = jnp.zeros((16,), jnp.float32)

        def zero_body(i, carry):
            hist[pl.ds(i * 16, 16)] = zv
            return carry

        lax.fori_loop(0, N_PAD // 16, zero_body, 0)

        onev = jnp.ones((16,), jnp.float32)

        def chunk_body(j, carry):
            for k in range(8):
                idxv = slab_d[pl.ds((j * 8 + k) * 16, 16)]
                plsc.addupdate_scatter(hist, [idxv], onev)
            return carry

        lax.fori_loop(0, E_W // CHUNK, chunk_body, 0)

        def rem_body(v, carry):
            idxv = slab_d[pl.ds((E_W // CHUNK) * CHUNK + v * 16, 16)]
            plsc.addupdate_scatter(hist, [idxv], onev)
            return carry

        lax.fori_loop(0, (E_W % CHUNK) // 16, rem_body, 0)

        pltpu.sync_copy(hist, deg_sh.at[pl.ds(sid * N_PAD, N_PAD)])
        plsc.subcore_barrier()

        c0 = sid * COLS

        def pull_body(j, carry):
            pltpu.sync_copy(deg_sh.at[pl.ds(j * N_PAD + c0, COLS)],
                            red.at[pl.ds(j * COLS, COLS)])
            return carry

        lax.fori_loop(0, NS, pull_body, 0)

        def sum_body(t, carry):
            s = red[pl.ds(t * 16, 16)]
            for j in range(1, NS):
                s = s + red[pl.ds(j * COLS + t * 16, 16)]
            obuf[pl.ds(t * 16, 16)] = s
            return carry

        lax.fori_loop(0, COLS // 16, sum_body, 0)

        pltpu.sync_copy(obuf, out_deg.at[cid, 0, pl.ds(c0, COLS)])

    return pl.kernel(body, out_type=out_type, mesh=mesh,
                     scratch_types=scratch,
                     compiler_params=pltpu.CompilerParams(
                         needs_layout_passes=False))


_sc_agg = _make_sc_agg()
_sc_deg = _make_sc_deg()


def _combine(feat, p, inv, w_self, w_neigh, b, relu):
    R = 2000

    def body(feat_ref, p_ref, inv_ref, ws_ref, wn_ref, b_ref, out_ref):
        neigh = (p_ref[0] + p_ref[1]) * inv_ref[...]
        acc = jnp.dot(feat_ref[...], ws_ref[...],
                      preferred_element_type=jnp.float32)
        acc += jnp.dot(neigh, wn_ref[...], preferred_element_type=jnp.float32)
        acc += b_ref[...]
        if relu:
            acc = jnp.maximum(acc, 0.0)
        out_ref[...] = acc

    return pl.pallas_call(
        body,
        grid=(N_NODES // R,),
        in_specs=[
            pl.BlockSpec((R, D), lambda i: (i, 0)),
            pl.BlockSpec((NC, R, D), lambda i: (0, i, 0)),
            pl.BlockSpec((R, 1), lambda i: (i, 0)),
            pl.BlockSpec((D, D), lambda i: (0, 0)),
            pl.BlockSpec((D, D), lambda i: (0, 0)),
            pl.BlockSpec((1, D), lambda i: (0, 0)),
        ],
        out_specs=pl.BlockSpec((R, D), lambda i: (i, 0)),
        out_shape=jax.ShapeDtypeStruct((N_NODES, D), jnp.float32),
    )(feat, p, inv, w_self, w_neigh, b.reshape(1, D))


@jax.jit
def _impl(x, src, dst, W1_self, W1_neigh, b1, W2_self, W2_neigh, b2):
    accp1 = _sc_agg(x, src, dst)
    degp = _sc_deg(dst)
    deg = degp[0, 0, :] + degp[1, 0, :]
    inv = (1.0 / jnp.maximum(deg, 1.0)).reshape(N_PAD, 1)
    h = _combine(x, accp1, inv, W1_self, W1_neigh, b1, relu=True)
    accp2 = _sc_agg(h, src, dst)
    return _combine(h, accp2, inv, W2_self, W2_neigh, b2, relu=False)


def kernel(x, edge_index, W1_self, W1_neigh, b1, W2_self, W2_neigh, b2):
    src = edge_index[0].astype(jnp.int32)
    dst = edge_index[1].astype(jnp.int32)
    return _impl(x, src, dst, W1_self, W1_neigh, b1,
                 W2_self, W2_neigh, b2)

# --- scband reference (transcript-rebuilt; emitter-appended) ---
"""Pipeline reference for scband-sage-13846974562745 (READ-ONLY COPY).

The authoritative reference and input builder live on the scoring server;
editing this copy changes nothing except your own understanding.
"""

import jax, jax.numpy as jnp
import numpy as np

N_NODES = 10000


def _sage_conv_mean(x, src, dst, w_self, w_neigh, b, n_nodes):
    # DGL SAGEConv with aggregator_type='mean':
    #   neigh = mean over in-edges of source features, then fc_neigh
    #   out   = fc_self(x) + fc_neigh(neigh) + bias
    msg = x[src]  # gather source node features per edge
    agg = jax.ops.segment_sum(msg, dst, num_segments=n_nodes)
    deg = jax.ops.segment_sum(jnp.ones((src.shape[0],), x.dtype), dst, num_segments=n_nodes)
    neigh = agg / jnp.clip(deg, 1.0)[:, None]
    return x @ w_self + neigh @ w_neigh + b


def setup_inputs(seed: int = 0) -> dict:
    key = jax.random.key(seed)
    k_x, k_e, k1, k2, k3, k4 = jax.random.split(key, 6)
    d_in, d_hid, d_out = 128, 128, 128
    x = jax.random.normal(k_x, (N_NODES, d_in), dtype=jnp.float32)
    edge_index = jax.random.randint(k_e, (2, 320000), 0, N_NODES, dtype=jnp.int64)
    s1 = 1.0 / np.sqrt(d_in)
    s2 = 1.0 / np.sqrt(d_hid)
    W1_self = jax.random.uniform(k1, (d_in, d_hid), jnp.float32, -s1, s1)
    W1_neigh = jax.random.uniform(k2, (d_in, d_hid), jnp.float32, -s1, s1)
    b1 = jnp.zeros((d_hid,), jnp.float32)
    W2_self = jax.random.uniform(k3, (d_hid, d_out), jnp.float32, -s2, s2)
    W2_neigh = jax.random.uniform(k4, (d_hid, d_out), jnp.float32, -s2, s2)
    b2 = jnp.zeros((d_out,), jnp.float32)
    return {"x": x, "edge_index": edge_index, "W1_self": W1_self, "W1_neigh": W1_neigh, "b1": b1, "W2_self": W2_self, "W2_neigh": W2_neigh, "b2": b2}


def reference(x, edge_index, W1_self, W1_neigh, b1, W2_self, W2_neigh, b2):
    src = edge_index[0]
    dst = edge_index[1]
    h = _sage_conv_mean(x, src, dst, W1_self, W1_neigh, b1, N_NODES)
    h = jax.nn.relu(h)
    out = _sage_conv_mean(h, src, dst, W2_self, W2_neigh, b2, N_NODES)
    return out

if __name__ == "__main__":
    import jax
    _d = setup_inputs()
    print(jax.jit(kernel)(*tuple(_d.values())))

</pallas_src>

<mosaic_0001>
#map = affine_map<(d0, d1) -> (0, 0)>
#map1 = affine_map<(d0, d1) -> (0)>
#map2 = affine_map<(d0, d1) -> (0, 0, 0)>
module attributes {stable_mosaic.version = 14 : i64} {
  func.func @body(%arg0: i32, %arg1: i32, %arg2: memref<10000x128xf32, #tpu.memory_space<hbm>>, %arg3: memref<320000xi32, #tpu.memory_space<hbm>>, %arg4: memref<320000xi32, #tpu.memory_space<hbm>>, %arg5: memref<2x10240x128xf32, #tpu.memory_space<hbm>>, %arg6: memref<1x128xi32, #tpu.memory_space<vmem>>, %arg7: memref<1x128xi32, #tpu.memory_space<vmem>>, %arg8: memref<128x128xf32, #tpu.memory_space<vmem>>, %arg9: memref<32x128xf32, #tpu.memory_space<vmem>>, %arg10: memref<10240x128xf32, #tpu.memory_space<vmem_shared>>) attributes {dimension_semantics = [#tpu.dimension_semantics<core_parallel>, #tpu.dimension_semantics<subcore_parallel>], iteration_bounds = array<i64: 2, 16>, scalar_prefetch = 0 : i64, scratch_operands = 5 : i64, tpu.core_type = #tpu.core_type<sc_vector_subcore>, window_params = [{transform_indices = #map}, {transform_indices = #map1}, {transform_indices = #map1}, {transform_indices = #map2}]} {
    %mul3A = arith.constant 2 : i32
    %mul3A_0 = arith.muli %arg1, %mul3A : i32
    %add3A = arith.addi %mul3A_0, %arg0 : i32
    %broadcast_in_dim3A = arith.constant 0.000000e+00 : f32
    %broadcast_in_dim3A_1 = vector.broadcast %broadcast_in_dim3A : f32 to vector<16xf32>
    %scan3A = arith.constant 0 : i32
    %scan3A_2 = arith.constant 0 : i32
    %scan3A_3 = arith.constant 32 : i32
    %scan3A_4 = arith.addi %scan3A_2, %scan3A_3 : i32
    %scan3A_5 = arith.constant 1 : i32
    scf.for %scan3A_29 = %scan3A_2 to %scan3A_4 step %scan3A_5  : i32 {
      %swap3A = arith.index_cast %scan3A_29 : i32 to index
      %swap3A_30 = arith.constant 0 : index
      %swap3A_31 = tpu.vector_load %arg9[%swap3A, %swap3A_30] {strides = array<i32>} : memref<32x128xf32, #tpu.memory_space<vmem>>, vector<1x16xf32>,
      %swap3A_32 = vector.shape_cast %swap3A_31 : vector<1x16xf32> to vector<16xf32>
      %swap3A_33 = vector.shape_cast %broadcast_in_dim3A_1 : vector<16xf32> to vector<1x16xf32>
      tpu.vector_store %arg9[%swap3A, %swap3A_30], %swap3A_33 {strides = array<i32>} : memref<32x128xf32, #tpu.memory_space<vmem>>, vector<1x16xf32>,
      %swap3A_34 = arith.index_cast %scan3A_29 : i32 to index
      %swap3A_35 = arith.constant 16 : index
      %swap3A_36 = tpu.vector_load %arg9[%swap3A_34, %swap3A_35] {strides = array<i32>} : memref<32x128xf32, #tpu.memory_space<vmem>>, vector<1x16xf32>,
      %swap3A_37 = vector.shape_cast %swap3A_36 : vector<1x16xf32> to vector<16xf32>
      %swap3A_38 = vector.shape_cast %broadcast_in_dim3A_1 : vector<16xf32> to vector<1x16xf32>
      tpu.vector_store %arg9[%swap3A_34, %swap3A_35], %swap3A_38 {strides = array<i32>} : memref<32x128xf32, #tpu.memory_space<vmem>>, vector<1x16xf32>,
      %swap3A_39 = arith.index_cast %scan3A_29 : i32 to index
      %swap3A_40 = arith.constant 32 : index
      %swap3A_41 = tpu.vector_load %arg9[%swap3A_39, %swap3A_40] {strides = array<i32>} : memref<32x128xf32, #tpu.memory_space<vmem>>, vector<1x16xf32>,
      %swap3A_42 = vector.shape_cast %swap3A_41 : vector<1x16xf32> to vector<16xf32>
      %swap3A_43 = vector.shape_cast %broadcast_in_dim3A_1 : vector<16xf32> to vector<1x16xf32>
      tpu.vector_store %arg9[%swap3A_39, %swap3A_40], %swap3A_43 {strides = array<i32>} : memref<32x128xf32, #tpu.memory_space<vmem>>, vector<1x16xf32>,
      %swap3A_44 = arith.index_cast %scan3A_29 : i32 to index
      %swap3A_45 = arith.constant 48 : index
      %swap3A_46 = tpu.vector_load %arg9[%swap3A_44, %swap3A_45] {strides = array<i32>} : memref<32x128xf32, #tpu.memory_space<vmem>>, vector<1x16xf32>,
      %swap3A_47 = vector.shape_cast %swap3A_46 : vector<1x16xf32> to vector<16xf32>
      %swap3A_48 = vector.shape_cast %broadcast_in_dim3A_1 : vector<16xf32> to vector<1x16xf32>
      tpu.vector_store %arg9[%swap3A_44, %swap3A_45], %swap3A_48 {strides = array<i32>} : memref<32x128xf32, #tpu.memory_space<vmem>>, vector<1x16xf32>,
      %swap3A_49 = arith.index_cast %scan3A_29 : i32 to index
      %swap3A_50 = arith.constant 64 : index
      %swap3A_51 = tpu.vector_load %arg9[%swap3A_49, %swap3A_50] {strides = array<i32>} : memref<32x128xf32, #tpu.memory_space<vmem>>, vector<1x16xf32>,
      %swap3A_52 = vector.shape_cast %swap3A_51 : vector<1x16xf32> to vector<16xf32>
      %swap3A_53 = vector.shape_cast %broadcast_in_dim3A_1 : vector<16xf32> to vector<1x16xf32>
      tpu.vector_store %arg9[%swap3A_49, %swap3A_50], %swap3A_53 {strides = array<i32>} : memref<32x128xf32, #tpu.memory_space<vmem>>, vector<1x16xf32>,
      %swap3A_54 = arith.index_cast %scan3A_29 : i32 to index
      %swap3A_55 = arith.constant 80 : index
      %swap3A_56 = tpu.vector_load %arg9[%swap3A_54, %swap3A_55] {strides = array<i32>} : memref<32x128xf32, #tpu.memory_space<vmem>>, vector<1x16xf32>,
      %swap3A_57 = vector.shape_cast %swap3A_56 : vector<1x16xf32> to vector<16xf32>
      %swap3A_58 = vector.shape_cast %broadcast_in_dim3A_1 : vector<16xf32> to vector<1x16xf32>
      tpu.vector_store %arg9[%swap3A_54, %swap3A_55], %swap3A_58 {strides = array<i32>} : memref<32x128xf32, #tpu.memory_space<vmem>>, vector<1x16xf32>,
      %swap3A_59 = arith.index_cast %scan3A_29 : i32 to index
      %swap3A_60 = arith.constant 96 : index
      %swap3A_61 = tpu.vector_load %arg9[%swap3A_59, %swap3A_60] {strides = array<i32>} : memref<32x128xf32, #tpu.memory_space<vmem>>, vector<1x16xf32>,
      %swap3A_62 = vector.shape_cast %swap3A_61 : vector<1x16xf32> to vector<16xf32>
      %swap3A_63 = vector.shape_cast %broadcast_in_dim3A_1 : vector<16xf32> to vector<1x16xf32>
      tpu.vector_store %arg9[%swap3A_59, %swap3A_60], %swap3A_63 {strides = array<i32>} : memref<32x128xf32, #tpu.memory_space<vmem>>, vector<1x16xf32>,
      %swap3A_64 = arith.index_cast %scan3A_29 : i32 to index
      %swap3A_65 = arith.constant 112 : index
      %swap3A_66 = tpu.vector_load %arg9[%swap3A_64, %swap3A_65] {strides = array<i32>} : memref<32x128xf32, #tpu.memory_space<vmem>>, vector<1x16xf32>,
      %swap3A_67 = vector.shape_cast %swap3A_66 : vector<1x16xf32> to vector<16xf32>
      %swap3A_68 = vector.shape_cast %broadcast_in_dim3A_1 : vector<16xf32> to vector<1x16xf32>
      tpu.vector_store %arg9[%swap3A_64, %swap3A_65], %swap3A_68 {strides = array<i32>} : memref<32x128xf32, #tpu.memory_space<vmem>>, vector<1x16xf32>,
    }
    %scan3A_6 = arith.constant 32 : i32
    %mul3A_7 = arith.constant 640 : i32
    %mul3A_8 = arith.muli %arg1, %mul3A_7 : i32
    %scan3A_9 = arith.constant 0 : i32
    %scan3A_10 = arith.constant 0 : i32
    %scan3A_11 = arith.constant 20 : i32
    %scan3A_12 = arith.addi %scan3A_10, %scan3A_11 : i32
    %scan3A_13 = arith.constant 1 : i32
    scf.for %scan3A_29 = %scan3A_10 to %scan3A_12 step %scan3A_13  : i32 {
      %mul3A_30 = arith.constant 32 : i32
      %mul3A_31 = arith.muli %scan3A_29, %mul3A_30 : i32
      %add3A_32 = arith.addi %mul3A_8, %mul3A_31 : i32
      "tpu.region"() ({
        %run_scoped3A = tpu.sem_alloc : memref<!tpu.dma_semaphore, #tpu.memory_space<semaphore_mem>>
        %dma_start3A = arith.constant 0 : i32
        %dma_start3A_33 = tpu.memref_slice %arg10[%add3A_32, %dma_start3A] : memref<10240x128xf32, #tpu.memory_space<vmem_shared>> -> memref<32x128xf32, #tpu.memory_space<vmem_shared>>
        %dma_start3A_34 = arith.constant 0 : i32
        %dma_start3A_35 = tpu.memref_slice %arg10[%add3A_32, %dma_start3A_34] : memref<10240x128xf32, #tpu.memory_space<vmem_shared>> -> memref<32x128xf32, #tpu.memory_space<vmem_shared>>
        tpu.enqueue_dma source(%arg9 : memref<32x128xf32, #tpu.memory_space<vmem>>) target(%dma_start3A_35 : memref<32x128xf32, #tpu.memory_space<vmem_shared>>) target_semaphore(%run_scoped3A : memref<!tpu.dma_semaphore, #tpu.memory_space<semaphore_mem>>)
        %dma_wait3A = arith.constant 0 : i32
        %dma_wait3A_36 = tpu.memref_slice %arg10[%add3A_32, %dma_wait3A] : memref<10240x128xf32, #tpu.memory_space<vmem_shared>> -> memref<32x128xf32, #tpu.memory_space<vmem_shared>>
        %dma_wait3A_37 = arith.constant 0 : i32
        %dma_wait3A_38 = tpu.memref_slice %arg10[%add3A_32, %dma_wait3A_37] : memref<10240x128xf32, #tpu.memory_space<vmem_shared>> -> memref<32x128xf32, #tpu.memory_space<vmem_shared>>
        tpu.wait_dma2 semaphore(%run_scoped3A : memref<!tpu.dma_semaphore, #tpu.memory_space<semaphore_mem>>) src(%arg9 : memref<32x128xf32, #tpu.memory_space<vmem>>) dst(%dma_wait3A_38 : memref<32x128xf32, #tpu.memory_space<vmem_shared>>)
        tpu.yield
      }) : () -> ()
    }
    %scan3A_14 = arith.constant 20 : i32
    %barrier3A = arith.constant 0 : index
    tpu.barrier barrier_id(%barrier3A)
    %lt3A = arith.constant 4 : i32
    %lt3A_15 = arith.cmpi slt, %add3A, %lt3A : i32
    %jit3A = arith.constant 1 : i32
    %jit3A_16 = arith.constant 0 : i32
    %select_n3A = arith.select %lt3A_15, %jit3A, %jit3A_16 : i32
    %add3A_17 = arith.constant 78 : i32
    %add3A_18 = arith.addi %add3A_17, %select_n3A : i32
    %while3A = arith.constant 0 : i32
    %while3A_19 = arith.constant 0 : i32
    %while3A_20 = arith.subi %add3A_18, %while3A_19 : i32
    %while3A_21 = arith.addi %while3A_19, %while3A_20 : i32
    %while3A_22 = arith.constant 1 : i32
    %while3A_23 = arith.divsi %while3A_20, %while3A_22 : i32
    %while3A_24 = arith.muli %while3A_23, %while3A_22 : i32
    %while3A_25 = arith.addi %while3A_19, %while3A_24 : i32
    %while3A_26 = arith.constant 1 : i32
    scf.for %while3A_29 = %while3A_19 to %while3A_25 step %while3A_26  : i32 {
      %mul3A_30 = arith.constant 32 : i32
      %mul3A_31 = arith.muli %while3A_29, %mul3A_30 : i32
      %add3A_32 = arith.addi %mul3A_31, %add3A : i32
      %mul3A_33 = arith.constant 128 : i32
      %mul3A_34 = arith.muli %add3A_32, %mul3A_33 : i32
      %run_scoped3A = arith.constant 0 : i32
      "tpu.region"() ({
        %run_scoped3A_38 = tpu.sem_alloc : memref<!tpu.dma_semaphore, #tpu.memory_space<semaphore_mem>>
        %dma_start3A = arith.constant 0 : i32
        %dma_start3A_39 = tpu.memref_slice %arg6[%run_scoped3A, %dma_start3A] : memref<1x128xi32, #tpu.memory_space<vmem>> -> memref<1x128xi32, #tpu.memory_space<vmem>>
        %dma_start3A_40 = tpu.memref_squeeze %dma_start3A_39 : memref<1x128xi32, #tpu.memory_space<vmem>> -> memref<128xi32, #tpu.memory_space<vmem>>
        %dma_start3A_41 = tpu.memref_slice %arg3[%mul3A_34] : memref<320000xi32, #tpu.memory_space<hbm>> -> memref<128xi32, #tpu.memory_space<hbm>>
        %dma_start3A_42 = arith.constant 0 : i32
        %dma_start3A_43 = tpu.memref_slice %arg6[%run_scoped3A, %dma_start3A_42] : memref<1x128xi32, #tpu.memory_space<vmem>> -> memref<1x128xi32, #tpu.memory_space<vmem>>
        %dma_start3A_44 = tpu.memref_squeeze %dma_start3A_43 : memref<1x128xi32, #tpu.memory_space<vmem>> -> memref<128xi32, #tpu.memory_space<vmem>>
        %dma_start3A_45 = tpu.memref_slice %arg3[%mul3A_34] : memref<320000xi32, #tpu.memory_space<hbm>> -> memref<128xi32, #tpu.memory_space<hbm>>
        tpu.enqueue_dma source(%dma_start3A_45 : memref<128xi32, #tpu.memory_space<hbm>>) target(%dma_start3A_44 : memref<128xi32, #tpu.memory_space<vmem>>) target_semaphore(%run_scoped3A_38 : memref<!tpu.dma_semaphore, #tpu.memory_space<semaphore_mem>>)
        %dma_wait3A = arith.constant 0 : i32
        %dma_wait3A_46 = tpu.memref_slice %arg6[%run_scoped3A, %dma_wait3A] : memref<1x128xi32, #tpu.memory_space<vmem>> -> memref<1x128xi32, #tpu.memory_space<vmem>>
        %dma_wait3A_47 = tpu.memref_squeeze %dma_wait3A_46 : memref<1x128xi32, #tpu.memory_space<vmem>> -> memref<128xi32, #tpu.memory_space<vmem>>
        %dma_wait3A_48 = tpu.memref_slice %arg3[%mul3A_34] : memref<320000xi32, #tpu.memory_space<hbm>> -> memref<128xi32, #tpu.memory_space<hbm>>
        %dma_wait3A_49 = arith.constant 0 : i32
        %dma_wait3A_50 = tpu.memref_slice %arg6[%run_scoped3A, %dma_wait3A_49] : memref<1x128xi32, #tpu.memory_space<vmem>> -> memref<1x128xi32, #tpu.memory_space<vmem>>
        %dma_wait3A_51 = tpu.memref_squeeze %dma_wait3A_50 : memref<1x128xi32, #tpu.memory_space<vmem>> -> memref<128xi32, #tpu.memory_space<vmem>>
        %dma_wait3A_52 = tpu.memref_slice %arg3[%mul3A_34] : memref<320000xi32, #tpu.memory_space<hbm>> -> memref<128xi32, #tpu.memory_space<hbm>>
        tpu.wait_dma2 semaphore(%run_scoped3A_38 : memref<!tpu.dma_semaphore, #tpu.memory_space<semaphore_mem>>) src(%dma_wait3A_52 : memref<128xi32, #tpu.memory_space<hbm>>) dst(%dma_wait3A_51 : memref<128xi32, #tpu.memory_space<vmem>>)
        tpu.yield
      }) : () -> ()
      %run_scoped3A_35 = arith.constant 0 : i32
      "tpu.region"() ({
        %run_scoped3A_38 = tpu.sem_alloc : memref<!tpu.dma_semaphore, #tpu.memory_space<semaphore_mem>>
        %dma_start3A = arith.constant 0 : i32
        %dma_start3A_39 = tpu.memref_slice %arg7[%run_scoped3A_35, %dma_start3A] : memref<1x128xi32, #tpu.memory_space<vmem>> -> memref<1x128xi32, #tpu.memory_space<vmem>>
        %dma_start3A_40 = tpu.memref_squeeze %dma_start3A_39 : memref<1x128xi32, #tpu.memory_space<vmem>> -> memref<128xi32, #tpu.memory_space<vmem>>
        %dma_start3A_41 = tpu.memref_slice %arg4[%mul3A_34] : memref<320000xi32, #tpu.memory_space<hbm>> -> memref<128xi32, #tpu.memory_space<hbm>>
        %dma_start3A_42 = arith.constant 0 : i32
        %dma_start3A_43 = tpu.memref_slice %arg7[%run_scoped3A_35, %dma_start3A_42] : memref<1x128xi32, #tpu.memory_space<vmem>> -> memref<1x128xi32, #tpu.memory_space<vmem>>
        %dma_start3A_44 = tpu.memref_squeeze %dma_start3A_43 : memref<1x128xi32, #tpu.memory_space<vmem>> -> memref<128xi32, #tpu.memory_space<vmem>>
        %dma_start3A_45 = tpu.memref_slice %arg4[%mul3A_34] : memref<320000xi32, #tpu.memory_space<hbm>> -> memref<128xi32, #tpu.memory_space<hbm>>
        tpu.enqueue_dma source(%dma_start3A_45 : memref<128xi32, #tpu.memory_space<hbm>>) target(%dma_start3A_44 : memref<128xi32, #tpu.memory_space<vmem>>) target_semaphore(%run_scoped3A_38 : memref<!tpu.dma_semaphore, #tpu.memory_space<semaphore_mem>>)
        %dma_wait3A = arith.constant 0 : i32
        %dma_wait3A_46 = tpu.memref_slice %arg7[%run_scoped3A_35, %dma_wait3A] : memref<1x128xi32, #tpu.memory_space<vmem>> -> memref<1x128xi32, #tpu.memory_space<vmem>>
        %dma_wait3A_47 = tpu.memref_squeeze %dma_wait3A_46 : memref<1x128xi32, #tpu.memory_space<vmem>> -> memref<128xi32, #tpu.memory_space<vmem>>
        %dma_wait3A_48 = tpu.memref_slice %arg4[%mul3A_34] : memref<320000xi32, #tpu.memory_space<hbm>> -> memref<128xi32, #tpu.memory_space<hbm>>
        %dma_wait3A_49 = arith.constant 0 : i32
        %dma_wait3A_50 = tpu.memref_slice %arg7[%run_scoped3A_35, %dma_wait3A_49] : memref<1x128xi32, #tpu.memory_space<vmem>> -> memref<1x128xi32, #tpu.memory_space<vmem>>
        %dma_wait3A_51 = tpu.memref_squeeze %dma_wait3A_50 : memref<1x128xi32, #tpu.memory_space<vmem>> -> memref<128xi32, #tpu.memory_space<vmem>>
        %dma_wait3A_52 = tpu.memref_slice %arg4[%mul3A_34] : memref<320000xi32, #tpu.memory_space<hbm>> -> memref<128xi32, #tpu.memory_space<hbm>>
        tpu.wait_dma2 semaphore(%run_scoped3A_38 : memref<!tpu.dma_semaphore, #tpu.memory_space<semaphore_mem>>) src(%dma_wait3A_52 : memref<128xi32, #tpu.memory_space<hbm>>) dst(%dma_wait3A_51 : memref<128xi32, #tpu.memory_space<vmem>>)
        tpu.yield
      }) : () -> ()
      %run_scoped3A_36 = arith.constant 0 : i32
      "tpu.region"() ({
        %run_scoped3A_38 = tpu.sem_alloc : memref<!tpu.dma_semaphore, #tpu.memory_space<semaphore_mem>>
        %dma_start3A = arith.constant 0 : i32
        %dma_start3A_39 = tpu.memref_slice %arg6[%run_scoped3A_36, %dma_start3A] : memref<1x128xi32, #tpu.memory_space<vmem>> -> memref<1x128xi32, #tpu.memory_space<vmem>>
        %dma_start3A_40 = tpu.memref_squeeze %dma_start3A_39 : memref<1x128xi32, #tpu.memory_space<vmem>> -> memref<128xi32, #tpu.memory_space<vmem>>
        %dma_start3A_41 = arith.constant 0 : i32
        %dma_start3A_42 = arith.constant 0 : i32
        %dma_start3A_43 = tpu.memref_slice %arg2[%dma_start3A_41, %dma_start3A_42] : memref<10000x128xf32, #tpu.memory_space<hbm>> -> memref<10000x128xf32, #tpu.memory_space<hbm>>
        tpu.enqueue_indirect_dma source(%dma_start3A_43 : memref<10000x128xf32, #tpu.memory_space<hbm>>) target(%arg8 : memref<128x128xf32, #tpu.memory_space<vmem>>) offsets(%dma_start3A_40 : memref<128xi32, #tpu.memory_space<vmem>>) semaphore(%run_scoped3A_38 : memref<!tpu.dma_semaphore, #tpu.memory_space<semaphore_mem>>)
        %dma_wait3A = arith.constant 0 : i32
        %dma_wait3A_44 = tpu.memref_slice %arg6[%run_scoped3A_36, %dma_wait3A] : memref<1x128xi32, #tpu.memory_space<vmem>> -> memref<1x128xi32, #tpu.memory_space<vmem>>
        %dma_wait3A_45 = tpu.memref_squeeze %dma_wait3A_44 : memref<1x128xi32, #tpu.memory_space<vmem>> -> memref<128xi32, #tpu.memory_space<vmem>>
        %dma_wait3A_46 = arith.constant 0 : i32
        %dma_wait3A_47 = arith.constant 0 : i32
        %dma_wait3A_48 = tpu.memref_slice %arg2[%dma_wait3A_46, %dma_wait3A_47] : memref<10000x128xf32, #tpu.memory_space<hbm>> -> memref<10000x128xf32, #tpu.memory_space<hbm>>
        tpu.wait_indirect_dma semaphore(%run_scoped3A_38 : memref<!tpu.dma_semaphore, #tpu.memory_space<semaphore_mem>>) src(%dma_wait3A_48 : memref<10000x128xf32, #tpu.memory_space<hbm>>) dst(%arg8 : memref<128x128xf32, #tpu.memory_space<vmem>>)
        tpu.yield
      }) : () -> ()
      %run_scoped3A_37 = arith.constant 0 : i32
      "tpu.region"() ({
        %run_scoped3A_38 = tpu.sem_alloc : memref<!tpu.dma_semaphore, #tpu.memory_space<semaphore_mem>>
        %dma_start3A = arith.constant 0 : i32
        %dma_start3A_39 = tpu.memref_slice %arg7[%run_scoped3A_37, %dma_start3A] : memref<1x128xi32, #tpu.memory_space<vmem>> -> memref<1x128xi32, #tpu.memory_space<vmem>>
        %dma_start3A_40 = tpu.memref_squeeze %dma_start3A_39 : memref<1x128xi32, #tpu.memory_space<vmem>> -> memref<128xi32, #tpu.memory_space<vmem>>
        %dma_start3A_41 = arith.constant 0 : i32
        %dma_start3A_42 = arith.constant 0 : i32
        %dma_start3A_43 = tpu.memref_slice %arg10[%dma_start3A_41, %dma_start3A_42] : memref<10240x128xf32, #tpu.memory_space<vmem_shared>> -> memref<10240x128xf32, #tpu.memory_space<vmem_shared>>
        tpu.enqueue_indirect_dma source(%arg8 : memref<128x128xf32, #tpu.memory_space<vmem>>) target(%dma_start3A_43 : memref<10240x128xf32, #tpu.memory_space<vmem_shared>>) offsets(%dma_start3A_40 : memref<128xi32, #tpu.memory_space<vmem>>) semaphore(%run_scoped3A_38 : memref<!tpu.dma_semaphore, #tpu.memory_space<semaphore_mem>>) {add = true}
        %dma_wait3A = arith.constant 0 : i32
        %dma_wait3A_44 = tpu.memref_slice %arg7[%run_scoped3A_37, %dma_wait3A] : memref<1x128xi32, #tpu.memory_space<vmem>> -> memref<1x128xi32, #tpu.memory_space<vmem>>
        %dma_wait3A_45 = tpu.memref_squeeze %dma_wait3A_44 : memref<1x128xi32, #tpu.memory_space<vmem>> -> memref<128xi32, #tpu.memory_space<vmem>>
        %dma_wait3A_46 = arith.constant 0 : i32
        %dma_wait3A_47 = arith.constant 0 : i32
        %dma_wait3A_48 = tpu.memref_slice %arg10[%dma_wait3A_46, %dma_wait3A_47] : memref<10240x128xf32, #tpu.memory_space<vmem_shared>> -> memref<10240x128xf32, #tpu.memory_space<vmem_shared>>
        tpu.wait_indirect_dma semaphore(%run_scoped3A_38 : memref<!tpu.dma_semaphore, #tpu.memory_space<semaphore_mem>>) src(%arg8 : memref<128x128xf32, #tpu.memory_space<vmem>>) dst(%dma_wait3A_48 : memref<10240x128xf32, #tpu.memory_space<vmem_shared>>)
        tpu.yield
      }) : () -> ()
    }
    %while3A_27 = arith.constant 1 : i32
    scf.for %while3A_29 = %while3A_25 to %while3A_21 step %while3A_27  : i32 {
      %mul3A_30 = arith.constant 32 : i32
      %mul3A_31 = arith.muli %while3A_29, %mul3A_30 : i32
      %add3A_32 = arith.addi %mul3A_31, %add3A : i32
      %mul3A_33 = arith.constant 128 : i32
      %mul3A_34 = arith.muli %add3A_32, %mul3A_33 : i32
      %run_scoped3A = arith.constant 0 : i32
      "tpu.region"() ({
        %run_scoped3A_38 = tpu.sem_alloc : memref<!tpu.dma_semaphore, #tpu.memory_space<semaphore_mem>>
        %dma_start3A = arith.constant 0 : i32
        %dma_start3A_39 = tpu.memref_slice %arg6[%run_scoped3A, %dma_start3A] : memref<1x128xi32, #tpu.memory_space<vmem>> -> memref<1x128xi32, #tpu.memory_space<vmem>>
        %dma_start3A_40 = tpu.memref_squeeze %dma_start3A_39 : memref<1x128xi32, #tpu.memory_space<vmem>> -> memref<128xi32, #tpu.memory_space<vmem>>
        %dma_start3A_41 = tpu.memref_slice %arg3[%mul3A_34] : memref<320000xi32, #tpu.memory_space<hbm>> -> memref<128xi32, #tpu.memory_space<hbm>>
        %dma_start3A_42 = arith.constant 0 : i32
        %dma_start3A_43 = tpu.memref_slice %arg6[%run_scoped3A, %dma_start3A_42] : memref<1x128xi32, #tpu.memory_space<vmem>> -> memref<1x128xi32, #tpu.memory_space<vmem>>
        %dma_start3A_44 = tpu.memref_squeeze %dma_start3A_43 : memref<1x128xi32, #tpu.memory_space<vmem>> -> memref<128xi32, #tpu.memory_space<vmem>>
        %dma_start3A_45 = tpu.memref_slice %arg3[%mul3A_34] : memref<320000xi32, #tpu.memory_space<hbm>> -> memref<128xi32, #tpu.memory_space<hbm>>
        tpu.enqueue_dma source(%dma_start3A_45 : memref<128xi32, #tpu.memory_space<hbm>>) target(%dma_start3A_44 : memref<128xi32, #tpu.memory_space<vmem>>) target_semaphore(%run_scoped3A_38 : memref<!tpu.dma_semaphore, #tpu.memory_space<semaphore_mem>>)
        %dma_wait3A = arith.constant 0 : i32
        %dma_wait3A_46 = tpu.memref_slice %arg6[%run_scoped3A, %dma_wait3A] : memref<1x128xi32, #tpu.memory_space<vmem>> -> memref<1x128xi32, #tpu.memory_space<vmem>>
        %dma_wait3A_47 = tpu.memref_squeeze %dma_wait3A_46 : memref<1x128xi32, #tpu.memory_space<vmem>> -> memref<128xi32, #tpu.memory_space<vmem>>
        %dma_wait3A_48 = tpu.memref_slice %arg3[%mul3A_34] : memref<320000xi32, #tpu.memory_space<hbm>> -> memref<128xi32, #tpu.memory_space<hbm>>
        %dma_wait3A_49 = arith.constant 0 : i32
        %dma_wait3A_50 = tpu.memref_slice %arg6[%run_scoped3A, %dma_wait3A_49] : memref<1x128xi32, #tpu.memory_space<vmem>> -> memref<1x128xi32, #tpu.memory_space<vmem>>
        %dma_wait3A_51 = tpu.memref_squeeze %dma_wait3A_50 : memref<1x128xi32, #tpu.memory_space<vmem>> -> memref<128xi32, #tpu.memory_space<vmem>>
        %dma_wait3A_52 = tpu.memref_slice %arg3[%mul3A_34] : memref<320000xi32, #tpu.memory_space<hbm>> -> memref<128xi32, #tpu.memory_space<hbm>>
        tpu.wait_dma2 semaphore(%run_scoped3A_38 : memref<!tpu.dma_semaphore, #tpu.memory_space<semaphore_mem>>) src(%dma_wait3A_52 : memref<128xi32, #tpu.memory_space<hbm>>) dst(%dma_wait3A_51 : memref<128xi32, #tpu.memory_space<vmem>>)
        tpu.yield
      }) : () -> ()
      %run_scoped3A_35 = arith.constant 0 : i32
      "tpu.region"() ({
        %run_scoped3A_38 = tpu.sem_alloc : memref<!tpu.dma_semaphore, #tpu.memory_space<semaphore_mem>>
        %dma_start3A = arith.constant 0 : i32
        %dma_start3A_39 = tpu.memref_slice %arg7[%run_scoped3A_35, %dma_start3A] : memref<1x128xi32, #tpu.memory_space<vmem>> -> memref<1x128xi32, #tpu.memory_space<vmem>>
        %dma_start3A_40 = tpu.memref_squeeze %dma_start3A_39 : memref<1x128xi32, #tpu.memory_space<vmem>> -> memref<128xi32, #tpu.memory_space<vmem>>
        %dma_start3A_41 = tpu.memref_slice %arg4[%mul3A_34] : memref<320000xi32, #tpu.memory_space<hbm>> -> memref<128xi32, #tpu.memory_space<hbm>>
        %dma_start3A_42 = arith.constant 0 : i32
        %dma_start3A_43 = tpu.memref_slice %arg7[%run_scoped3A_35, %dma_start3A_42] : memref<1x128xi32, #tpu.memory_space<vmem>> -> memref<1x128xi32, #tpu.memory_space<vmem>>
        %dma_start3A_44 = tpu.memref_squeeze %dma_start3A_43 : memref<1x128xi32, #tpu.memory_space<vmem>> -> memref<128xi32, #tpu.memory_space<vmem>>
        %dma_start3A_45 = tpu.memref_slice %arg4[%mul3A_34] : memref<320000xi32, #tpu.memory_space<hbm>> -> memref<128xi32, #tpu.memory_space<hbm>>
        tpu.enqueue_dma source(%dma_start3A_45 : memref<128xi32, #tpu.memory_space<hbm>>) target(%dma_start3A_44 : memref<128xi32, #tpu.memory_space<vmem>>) target_semaphore(%run_scoped3A_38 : memref<!tpu.dma_semaphore, #tpu.memory_space<semaphore_mem>>)
        %dma_wait3A = arith.constant 0 : i32
        %dma_wait3A_46 = tpu.memref_slice %arg7[%run_scoped3A_35, %dma_wait3A] : memref<1x128xi32, #tpu.memory_space<vmem>> -> memref<1x128xi32, #tpu.memory_space<vmem>>
        %dma_wait3A_47 = tpu.memref_squeeze %dma_wait3A_46 : memref<1x128xi32, #tpu.memory_space<vmem>> -> memref<128xi32, #tpu.memory_space<vmem>>
        %dma_wait3A_48 = tpu.memref_slice %arg4[%mul3A_34] : memref<320000xi32, #tpu.memory_space<hbm>> -> memref<128xi32, #tpu.memory_space<hbm>>
        %dma_wait3A_49 = arith.constant 0 : i32
        %dma_wait3A_50 = tpu.memref_slice %arg7[%run_scoped3A_35, %dma_wait3A_49] : memref<1x128xi32, #tpu.memory_space<vmem>> -> memref<1x128xi32, #tpu.memory_space<vmem>>
        %dma_wait3A_51 = tpu.memref_squeeze %dma_wait3A_50 : memref<1x128xi32, #tpu.memory_space<vmem>> -> memref<128xi32, #tpu.memory_space<vmem>>
        %dma_wait3A_52 = tpu.memref_slice %arg4[%mul3A_34] : memref<320000xi32, #tpu.memory_space<hbm>> -> memref<128xi32, #tpu.memory_space<hbm>>
        tpu.wait_dma2 semaphore(%run_scoped3A_38 : memref<!tpu.dma_semaphore, #tpu.memory_space<semaphore_mem>>) src(%dma_wait3A_52 : memref<128xi32, #tpu.memory_space<hbm>>) dst(%dma_wait3A_51 : memref<128xi32, #tpu.memory_space<vmem>>)
        tpu.yield
      }) : () -> ()
      %run_scoped3A_36 = arith.constant 0 : i32
      "tpu.region"() ({
        %run_scoped3A_38 = tpu.sem_alloc : memref<!tpu.dma_semaphore, #tpu.memory_space<semaphore_mem>>
        %dma_start3A = arith.constant 0 : i32
        %dma_start3A_39 = tpu.memref_slice %arg6[%run_scoped3A_36, %dma_start3A] : memref<1x128xi32, #tpu.memory_space<vmem>> -> memref<1x128xi32, #tpu.memory_space<vmem>>
        %dma_start3A_40 = tpu.memref_squeeze %dma_start3A_39 : memref<1x128xi32, #tpu.memory_space<vmem>> -> memref<128xi32, #tpu.memory_space<vmem>>
        %dma_start3A_41 = arith.constant 0 : i32
        %dma_start3A_42 = arith.constant 0 : i32
        %dma_start3A_43 = tpu.memref_slice %arg2[%dma_start3A_41, %dma_start3A_42] : memref<10000x128xf32, #tpu.memory_space<hbm>> -> memref<10000x128xf32, #tpu.memory_space<hbm>>
        tpu.enqueue_indirect_dma source(%dma_start3A_43 : memref<10000x128xf32, #tpu.memory_space<hbm>>) target(%arg8 : memref<128x128xf32, #tpu.memory_space<vmem>>) offsets(%dma_start3A_40 : memref<128xi32, #tpu.memory_space<vmem>>) semaphore(%run_scoped3A_38 : memref<!tpu.dma_semaphore, #tpu.memory_space<semaphore_mem>>)
        %dma_wait3A = arith.constant 0 : i32
        %dma_wait3A_44 = tpu.memref_slice %arg6[%run_scoped3A_36, %dma_wait3A] : memref<1x128xi32, #tpu.memory_space<vmem>> -> memref<1x128xi32, #tpu.memory_space<vmem>>
        %dma_wait3A_45 = tpu.memref_squeeze %dma_wait3A_44 : memref<1x128xi32, #tpu.memory_space<vmem>> -> memref<128xi32, #tpu.memory_space<vmem>>
        %dma_wait3A_46 = arith.constant 0 : i32
        %dma_wait3A_47 = arith.constant 0 : i32
        %dma_wait3A_48 = tpu.memref_slice %arg2[%dma_wait3A_46, %dma_wait3A_47] : memref<10000x128xf32, #tpu.memory_space<hbm>> -> memref<10000x128xf32, #tpu.memory_space<hbm>>
        tpu.wait_indirect_dma semaphore(%run_scoped3A_38 : memref<!tpu.dma_semaphore, #tpu.memory_space<semaphore_mem>>) src(%dma_wait3A_48 : memref<10000x128xf32, #tpu.memory_space<hbm>>) dst(%arg8 : memref<128x128xf32, #tpu.memory_space<vmem>>)
        tpu.yield
      }) : () -> ()
      %run_scoped3A_37 = arith.constant 0 : i32
      "tpu.region"() ({
        %run_scoped3A_38 = tpu.sem_alloc : memref<!tpu.dma_semaphore, #tpu.memory_space<semaphore_mem>>
        %dma_start3A = arith.constant 0 : i32
        %dma_start3A_39 = tpu.memref_slice %arg7[%run_scoped3A_37, %dma_start3A] : memref<1x128xi32, #tpu.memory_space<vmem>> -> memref<1x128xi32, #tpu.memory_space<vmem>>
        %dma_start3A_40 = tpu.memref_squeeze %dma_start3A_39 : memref<1x128xi32, #tpu.memory_space<vmem>> -> memref<128xi32, #tpu.memory_space<vmem>>
        %dma_start3A_41 = arith.constant 0 : i32
        %dma_start3A_42 = arith.constant 0 : i32
        %dma_start3A_43 = tpu.memref_slice %arg10[%dma_start3A_41, %dma_start3A_42] : memref<10240x128xf32, #tpu.memory_space<vmem_shared>> -> memref<10240x128xf32, #tpu.memory_space<vmem_shared>>
        tpu.enqueue_indirect_dma source(%arg8 : memref<128x128xf32, #tpu.memory_space<vmem>>) target(%dma_start3A_43 : memref<10240x128xf32, #tpu.memory_space<vmem_shared>>) offsets(%dma_start3A_40 : memref<128xi32, #tpu.memory_space<vmem>>) semaphore(%run_scoped3A_38 : memref<!tpu.dma_semaphore, #tpu.memory_space<semaphore_mem>>) {add = true}
        %dma_wait3A = arith.constant 0 : i32
        %dma_wait3A_44 = tpu.memref_slice %arg7[%run_scoped3A_37, %dma_wait3A] : memref<1x128xi32, #tpu.memory_space<vmem>> -> memref<1x128xi32, #tpu.memory_space<vmem>>
        %dma_wait3A_45 = tpu.memref_squeeze %dma_wait3A_44 : memref<1x128xi32, #tpu.memory_space<vmem>> -> memref<128xi32, #tpu.memory_space<vmem>>
        %dma_wait3A_46 = arith.constant 0 : i32
        %dma_wait3A_47 = arith.constant 0 : i32
        %dma_wait3A_48 = tpu.memref_slice %arg10[%dma_wait3A_46, %dma_wait3A_47] : memref<10240x128xf32, #tpu.memory_space<vmem_shared>> -> memref<10240x128xf32, #tpu.memory_space<vmem_shared>>
        tpu.wait_indirect_dma semaphore(%run_scoped3A_38 : memref<!tpu.dma_semaphore, #tpu.memory_space<semaphore_mem>>) src(%arg8 : memref<128x128xf32, #tpu.memory_space<vmem>>) dst(%dma_wait3A_48 : memref<10240x128xf32, #tpu.memory_space<vmem_shared>>)
        tpu.yield
      }) : () -> ()
    }
    %barrier3A_28 = arith.constant 0 : index
    tpu.barrier barrier_id(%barrier3A_28)
    "tpu.region"() ({
      %run_scoped3A = tpu.sem_alloc : memref<!tpu.dma_semaphore, #tpu.memory_space<semaphore_mem>>
      %dma_start3A = arith.constant 0 : i32
      %dma_start3A_29 = tpu.memref_slice %arg5[%arg0, %mul3A_8, %dma_start3A] : memref<2x10240x128xf32, #tpu.memory_space<hbm>> -> memref<1x640x128xf32, #tpu.memory_space<hbm>>
      %dma_start3A_30 = tpu.memref_squeeze %dma_start3A_29 : memref<1x640x128xf32, #tpu.memory_space<hbm>> -> memref<640x128xf32, #tpu.memory_space<hbm>>
      %dma_start3A_31 = arith.constant 0 : i32
      %dma_start3A_32 = tpu.memref_slice %arg10[%mul3A_8, %dma_start3A_31] : memref<10240x128xf32, #tpu.memory_space<vmem_shared>> -> memref<640x128xf32, #tpu.memory_space<vmem_shared>>
      tpu.enqueue_dma source(%dma_start3A_32 : memref<640x128xf32, #tpu.memory_space<vmem_shared>>) target(%dma_start3A_30 : memref<640x128xf32, #tpu.memory_space<hbm>>) target_semaphore(%run_scoped3A : memref<!tpu.dma_semaphore, #tpu.memory_space<semaphore_mem>>)
      %dma_wait3A = arith.constant 0 : i32
      %dma_wait3A_33 = tpu.memref_slice %arg5[%arg0, %mul3A_8, %dma_wait3A] : memref<2x10240x128xf32, #tpu.memory_space<hbm>> -> memref<1x640x128xf32, #tpu.memory_space<hbm>>
      %dma_wait3A_34 = tpu.memref_squeeze %dma_wait3A_33 : memref<1x640x128xf32, #tpu.memory_space<hbm>> -> memref<640x128xf32, #tpu.memory_space<hbm>>
      %dma_wait3A_35 = arith.constant 0 : i32
      %dma_wait3A_36 = tpu.memref_slice %arg10[%mul3A_8, %dma_wait3A_35] : memref<10240x128xf32, #tpu.memory_space<vmem_shared>> -> memref<640x128xf32, #tpu.memory_space<vmem_shared>>
      tpu.wait_dma2 semaphore(%run_scoped3A : memref<!tpu.dma_semaphore, #tpu.memory_space<semaphore_mem>>) src(%dma_wait3A_36 : memref<640x128xf32, #tpu.memory_space<vmem_shared>>) dst(%dma_wait3A_34 : memref<640x128xf32, #tpu.memory_space<hbm>>)
      tpu.yield
    }) : () -> ()
    return
  }
}

#map = affine_map<(d0, d1) -> (0, 0)>
#map1 = affine_map<(d0, d1) -> (0)>
#map2 = affine_map<(d0, d1) -> (0, 0, 0)>
module attributes {stable_mosaic.version = 14 : i64} {
  func.func @body(%arg0: i32, %arg1: i32, %arg2: memref<10000x128xf32, #tpu.memory_space<hbm>>, %arg3: memref<320000xi32, #tpu.memory_space<hbm>>, %arg4: memref<320000xi32, #tpu.memory_space<hbm>>, %arg5: memref<2x10240x128xf32, #tpu.memory_space<hbm>>, %arg6: memref<1x128xi32, #tpu.memory_space<vmem>>, %arg7: memref<1x128xi32, #tpu.memory_space<vmem>>, %arg8: memref<128x128xf32, #tpu.memory_space<vmem>>, %arg9: memref<32x128xf32, #tpu.memory_space<vmem>>, %arg10: memref<10240x128xf32, #tpu.memory_space<vmem_shared>>) attributes {dimension_semantics = [#tpu.dimension_semantics<core_parallel>, #tpu.dimension_semantics<subcore_parallel>], iteration_bounds = array<i64: 2, 16>, scalar_prefetch = 0 : i64, scratch_operands = 5 : i64, tpu.core_type = #tpu.core_type<sc_vector_subcore>, window_params = [{transform_indices = #map}, {transform_indices = #map1}, {transform_indices = #map1}, {transform_indices = #map2}]} {
    %mul3A = arith.constant 2 : i32
    %mul3A_0 = arith.muli %arg1, %mul3A : i32
    %add3A = arith.addi %mul3A_0, %arg0 : i32
    %broadcast_in_dim3A = arith.constant 0.000000e+00 : f32
    %broadcast_in_dim3A_1 = vector.broadcast %broadcast_in_dim3A : f32 to vector<16xf32>
    %scan3A = arith.constant 0 : i32
    %scan3A_2 = arith.constant 0 : i32
    %scan3A_3 = arith.constant 32 : i32
    %scan3A_4 = arith.addi %scan3A_2, %scan3A_3 : i32
    %scan3A_5 = arith.constant 1 : i32
    scf.for %scan3A_29 = %scan3A_2 to %scan3A_4 step %scan3A_5  : i32 {
      %swap3A = arith.index_cast %scan3A_29 : i32 to index
      %swap3A_30 = arith.constant 0 : index
      %swap3A_31 = tpu.vector_load %arg9[%swap3A, %swap3A_30] {strides = array<i32>} : memref<32x128xf32, #tpu.memory_space<vmem>>, vector<1x16xf32>,
      %swap3A_32 = vector.shape_cast %swap3A_31 : vector<1x16xf32> to vector<16xf32>
      %swap3A_33 = vector.shape_cast %broadcast_in_dim3A_1 : vector<16xf32> to vector<1x16xf32>
      tpu.vector_store %arg9[%swap3A, %swap3A_30], %swap3A_33 {strides = array<i32>} : memref<32x128xf32, #tpu.memory_space<vmem>>, vector<1x16xf32>,
      %swap3A_34 = arith.index_cast %scan3A_29 : i32 to index
      %swap3A_35 = arith.constant 16 : index
      %swap3A_36 = tpu.vector_load %arg9[%swap3A_34, %swap3A_35] {strides = array<i32>} : memref<32x128xf32, #tpu.memory_space<vmem>>, vector<1x16xf32>,
      %swap3A_37 = vector.shape_cast %swap3A_36 : vector<1x16xf32> to vector<16xf32>
      %swap3A_38 = vector.shape_cast %broadcast_in_dim3A_1 : vector<16xf32> to vector<1x16xf32>
      tpu.vector_store %arg9[%swap3A_34, %swap3A_35], %swap3A_38 {strides = array<i32>} : memref<32x128xf32, #tpu.memory_space<vmem>>, vector<1x16xf32>,
      %swap3A_39 = arith.index_cast %scan3A_29 : i32 to index
      %swap3A_40 = arith.constant 32 : index
      %swap3A_41 = tpu.vector_load %arg9[%swap3A_39, %swap3A_40] {strides = array<i32>} : memref<32x128xf32, #tpu.memory_space<vmem>>, vector<1x16xf32>,
      %swap3A_42 = vector.shape_cast %swap3A_41 : vector<1x16xf32> to vector<16xf32>
      %swap3A_43 = vector.shape_cast %broadcast_in_dim3A_1 : vector<16xf32> to vector<1x16xf32>
      tpu.vector_store %arg9[%swap3A_39, %swap3A_40], %swap3A_43 {strides = array<i32>} : memref<32x128xf32, #tpu.memory_space<vmem>>, vector<1x16xf32>,
      %swap3A_44 = arith.index_cast %scan3A_29 : i32 to index
      %swap3A_45 = arith.constant 48 : index
      %swap3A_46 = tpu.vector_load %arg9[%swap3A_44, %swap3A_45] {strides = array<i32>} : memref<32x128xf32, #tpu.memory_space<vmem>>, vector<1x16xf32>,
      %swap3A_47 = vector.shape_cast %swap3A_46 : vector<1x16xf32> to vector<16xf32>
      %swap3A_48 = vector.shape_cast %broadcast_in_dim3A_1 : vector<16xf32> to vector<1x16xf32>
      tpu.vector_store %arg9[%swap3A_44, %swap3A_45], %swap3A_48 {strides = array<i32>} : memref<32x128xf32, #tpu.memory_space<vmem>>, vector<1x16xf32>,
      %swap3A_49 = arith.index_cast %scan3A_29 : i32 to index
      %swap3A_50 = arith.constant 64 : index
      %swap3A_51 = tpu.vector_load %arg9[%swap3A_49, %swap3A_50] {strides = array<i32>} : memref<32x128xf32, #tpu.memory_space<vmem>>, vector<1x16xf32>,
      %swap3A_52 = vector.shape_cast %swap3A_51 : vector<1x16xf32> to vector<16xf32>
      %swap3A_53 = vector.shape_cast %broadcast_in_dim3A_1 : vector<16xf32> to vector<1x16xf32>
      tpu.vector_store %arg9[%swap3A_49, %swap3A_50], %swap3A_53 {strides = array<i32>} : memref<32x128xf32, #tpu.memory_space<vmem>>, vector<1x16xf32>,
      %swap3A_54 = arith.index_cast %scan3A_29 : i32 to index
      %swap3A_55 = arith.constant 80 : index
      %swap3A_56 = tpu.vector_load %arg9[%swap3A_54, %swap3A_55] {strides = array<i32>} : memref<32x128xf32, #tpu.memory_space<vmem>>, vector<1x16xf32>,
      %swap3A_57 = vector.shape_cast %swap3A_56 : vector<1x16xf32> to vector<16xf32>
      %swap3A_58 = vector.shape_cast %broadcast_in_dim3A_1 : vector<16xf32> to vector<1x16xf32>
      tpu.vector_store %arg9[%swap3A_54, %swap3A_55], %swap3A_58 {strides = array<i32>} : memref<32x128xf32, #tpu.memory_space<vmem>>, vector<1x16xf32>,
      %swap3A_59 = arith.index_cast %scan3A_29 : i32 to index
      %swap3A_60 = arith.constant 96 : index
      %swap3A_61 = tpu.vector_load %arg9[%swap3A_59, %swap3A_60] {strides = array<i32>} : memref<32x128xf32, #tpu.memory_space<vmem>>, vector<1x16xf32>,
      %swap3A_62 = vector.shape_cast %swap3A_61 : vector<1x16xf32> to vector<16xf32>
      %swap3A_63 = vector.shape_cast %broadcast_in_dim3A_1 : vector<16xf32> to vector<1x16xf32>
      tpu.vector_store %arg9[%swap3A_59, %swap3A_60], %swap3A_63 {strides = array<i32>} : memref<32x128xf32, #tpu.memory_space<vmem>>, vector<1x16xf32>,
      %swap3A_64 = arith.index_cast %scan3A_29 : i32 to index
      %swap3A_65 = arith.constant 112 : index
      %swap3A_66 = tpu.vector_load %arg9[%swap3A_64, %swap3A_65] {strides = array<i32>} : memref<32x128xf32, #tpu.memory_space<vmem>>, vector<1x16xf32>,
      %swap3A_67 = vector.shape_cast %swap3A_66 : vector<1x16xf32> to vector<16xf32>
      %swap3A_68 = vector.shape_cast %broadcast_in_dim3A_1 : vector<16xf32> to vector<1x16xf32>
      tpu.vector_store %arg9[%swap3A_64, %swap3A_65], %swap3A_68 {strides = array<i32>} : memref<32x128xf32, #tpu.memory_space<vmem>>, vector<1x16xf32>,
    }
    %scan3A_6 = arith.constant 32 : i32
    %mul3A_7 = arith.constant 640 : i32
    %mul3A_8 = arith.muli %arg1, %mul3A_7 : i32
    %scan3A_9 = arith.constant 0 : i32
    %scan3A_10 = arith.constant 0 : i32
    %scan3A_11 = arith.constant 20 : i32
    %scan3A_12 = arith.addi %scan3A_10, %scan3A_11 : i32
    %scan3A_13 = arith.constant 1 : i32
    scf.for %scan3A_29 = %scan3A_10 to %scan3A_12 step %scan3A_13  : i32 {
      %mul3A_30 = arith.constant 32 : i32
      %mul3A_31 = arith.muli %scan3A_29, %mul3A_30 : i32
      %add3A_32 = arith.addi %mul3A_8, %mul3A_31 : i32
      "tpu.region"() ({
        %run_scoped3A = tpu.sem_alloc : memref<!tpu.dma_semaphore, #tpu.memory_space<semaphore_mem>>
        %dma_start3A = arith.constant 0 : i32
        %dma_start3A_33 = tpu.memref_slice %arg10[%add3A_32, %dma_start3A] : memref<10240x128xf32, #tpu.memory_space<vmem_shared>> -> memref<32x128xf32, #tpu.memory_space<vmem_shared>>
        %dma_start3A_34 = arith.constant 0 : i32
        %dma_start3A_35 = tpu.memref_slice %arg10[%add3A_32, %dma_start3A_34] : memref<10240x128xf32, #tpu.memory_space<vmem_shared>> -> memref<32x128xf32, #tpu.memory_space<vmem_shared>>
        tpu.enqueue_dma source(%arg9 : memref<32x128xf32, #tpu.memory_space<vmem>>) target(%dma_start3A_35 : memref<32x128xf32, #tpu.memory_space<vmem_shared>>) target_semaphore(%run_scoped3A : memref<!tpu.dma_semaphore, #tpu.memory_space<semaphore_mem>>)
        %dma_wait3A = arith.constant 0 : i32
        %dma_wait3A_36 = tpu.memref_slice %arg10[%add3A_32, %dma_wait3A] : memref<10240x128xf32, #tpu.memory_space<vmem_shared>> -> memref<32x128xf32, #tpu.memory_space<vmem_shared>>
        %dma_wait3A_37 = arith.constant 0 : i32
        %dma_wait3A_38 = tpu.memref_slice %arg10[%add3A_32, %dma_wait3A_37] : memref<10240x128xf32, #tpu.memory_space<vmem_shared>> -> memref<32x128xf32, #tpu.memory_space<vmem_shared>>
        tpu.wait_dma2 semaphore(%run_scoped3A : memref<!tpu.dma_semaphore, #tpu.memory_space<semaphore_mem>>) src(%arg9 : memref<32x128xf32, #tpu.memory_space<vmem>>) dst(%dma_wait3A_38 : memref<32x128xf32, #tpu.memory_space<vmem_shared>>)
        tpu.yield
      }) : () -> ()
    }
    %scan3A_14 = arith.constant 20 : i32
    %barrier3A = arith.constant 0 : index
    tpu.barrier barrier_id(%barrier3A)
    %lt3A = arith.constant 4 : i32
    %lt3A_15 = arith.cmpi slt, %add3A, %lt3A : i32
    %jit3A = arith.constant 1 : i32
    %jit3A_16 = arith.constant 0 : i32
    %select_n3A = arith.select %lt3A_15, %jit3A, %jit3A_16 : i32
    %add3A_17 = arith.constant 78 : i32
    %add3A_18 = arith.addi %add3A_17, %select_n3A : i32
    %while3A = arith.constant 0 : i32
    %while3A_19 = arith.constant 0 : i32
    %while3A_20 = arith.subi %add3A_18, %while3A_19 : i32
    %while3A_21 = arith.addi %while3A_19, %while3A_20 : i32
    %while3A_22 = arith.constant 1 : i32
    %while3A_23 = arith.divsi %while3A_20, %while3A_22 : i32
    %while3A_24 = arith.muli %while3A_23, %while3A_22 : i32
    %while3A_25 = arith.addi %while3A_19, %while3A_24 : i32
    %while3A_26 = arith.constant 1 : i32
    scf.for %while3A_29 = %while3A_19 to %while3A_25 step %while3A_26  : i32 {
      %mul3A_30 = arith.constant 32 : i32
      %mul3A_31 = arith.muli %while3A_29, %mul3A_30 : i32
      %add3A_32 = arith.addi %mul3A_31, %add3A : i32
      %mul3A_33 = arith.constant 128 : i32
      %mul3A_34 = arith.muli %add3A_32, %mul3A_33 : i32
      %run_scoped3A = arith.constant 0 : i32
      "tpu.region"() ({
        %run_scoped3A_38 = tpu.sem_alloc : memref<!tpu.dma_semaphore, #tpu.memory_space<semaphore_mem>>
        %dma_start3A = arith.constant 0 : i32
        %dma_start3A_39 = tpu.memref_slice %arg6[%run_scoped3A, %dma_start3A] : memref<1x128xi32, #tpu.memory_space<vmem>> -> memref<1x128xi32, #tpu.memory_space<vmem>>
        %dma_start3A_40 = tpu.memref_squeeze %dma_start3A_39 : memref<1x128xi32, #tpu.memory_space<vmem>> -> memref<128xi32, #tpu.memory_space<vmem>>
        %dma_start3A_41 = tpu.memref_slice %arg3[%mul3A_34] : memref<320000xi32, #tpu.memory_space<hbm>> -> memref<128xi32, #tpu.memory_space<hbm>>
        %dma_start3A_42 = arith.constant 0 : i32
        %dma_start3A_43 = tpu.memref_slice %arg6[%run_scoped3A, %dma_start3A_42] : memref<1x128xi32, #tpu.memory_space<vmem>> -> memref<1x128xi32, #tpu.memory_space<vmem>>
        %dma_start3A_44 = tpu.memref_squeeze %dma_start3A_43 : memref<1x128xi32, #tpu.memory_space<vmem>> -> memref<128xi32, #tpu.memory_space<vmem>>
        %dma_start3A_45 = tpu.memref_slice %arg3[%mul3A_34] : memref<320000xi32, #tpu.memory_space<hbm>> -> memref<128xi32, #tpu.memory_space<hbm>>
        tpu.enqueue_dma source(%dma_start3A_45 : memref<128xi32, #tpu.memory_space<hbm>>) target(%dma_start3A_44 : memref<128xi32, #tpu.memory_space<vmem>>) target_semaphore(%run_scoped3A_38 : memref<!tpu.dma_semaphore, #tpu.memory_space<semaphore_mem>>)
        %dma_wait3A = arith.constant 0 : i32
        %dma_wait3A_46 = tpu.memref_slice %arg6[%run_scoped3A, %dma_wait3A] : memref<1x128xi32, #tpu.memory_space<vmem>> -> memref<1x128xi32, #tpu.memory_space<vmem>>
        %dma_wait3A_47 = tpu.memref_squeeze %dma_wait3A_46 : memref<1x128xi32, #tpu.memory_space<vmem>> -> memref<128xi32, #tpu.memory_space<vmem>>
        %dma_wait3A_48 = tpu.memref_slice %arg3[%mul3A_34] : memref<320000xi32, #tpu.memory_space<hbm>> -> memref<128xi32, #tpu.memory_space<hbm>>
        %dma_wait3A_49 = arith.constant 0 : i32
        %dma_wait3A_50 = tpu.memref_slice %arg6[%run_scoped3A, %dma_wait3A_49] : memref<1x128xi32, #tpu.memory_space<vmem>> -> memref<1x128xi32, #tpu.memory_space<vmem>>
        %dma_wait3A_51 = tpu.memref_squeeze %dma_wait3A_50 : memref<1x128xi32, #tpu.memory_space<vmem>> -> memref<128xi32, #tpu.memory_space<vmem>>
        %dma_wait3A_52 = tpu.memref_slice %arg3[%mul3A_34] : memref<320000xi32, #tpu.memory_space<hbm>> -> memref<128xi32, #tpu.memory_space<hbm>>
        tpu.wait_dma2 semaphore(%run_scoped3A_38 : memref<!tpu.dma_semaphore, #tpu.memory_space<semaphore_mem>>) src(%dma_wait3A_52 : memref<128xi32, #tpu.memory_space<hbm>>) dst(%dma_wait3A_51 : memref<128xi32, #tpu.memory_space<vmem>>)
        tpu.yield
      }) : () -> ()
      %run_scoped3A_35 = arith.constant 0 : i32
      "tpu.region"() ({
        %run_scoped3A_38 = tpu.sem_alloc : memref<!tpu.dma_semaphore, #tpu.memory_space<semaphore_mem>>
        %dma_start3A = arith.constant 0 : i32
        %dma_start3A_39 = tpu.memref_slice %arg7[%run_scoped3A_35, %dma_start3A] : memref<1x128xi32, #tpu.memory_space<vmem>> -> memref<1x128xi32, #tpu.memory_space<vmem>>
        %dma_start3A_40 = tpu.memref_squeeze %dma_start3A_39 : memref<1x128xi32, #tpu.memory_space<vmem>> -> memref<128xi32, #tpu.memory_space<vmem>>
        %dma_start3A_41 = tpu.memref_slice %arg4[%mul3A_34] : memref<320000xi32, #tpu.memory_space<hbm>> -> memref<128xi32, #tpu.memory_space<hbm>>
        %dma_start3A_42 = arith.constant 0 : i32
        %dma_start3A_43 = tpu.memref_slice %arg7[%run_scoped3A_35, %dma_start3A_42] : memref<1x128xi32, #tpu.memory_space<vmem>> -> memref<1x128xi32, #tpu.memory_space<vmem>>
        %dma_start3A_44 = tpu.memref_squeeze %dma_start3A_43 : memref<1x128xi32, #tpu.memory_space<vmem>> -> memref<128xi32, #tpu.memory_space<vmem>>
        %dma_start3A_45 = tpu.memref_slice %arg4[%mul3A_34] : memref<320000xi32, #tpu.memory_space<hbm>> -> memref<128xi32, #tpu.memory_space<hbm>>
        tpu.enqueue_dma source(%dma_start3A_45 : memref<128xi32, #tpu.memory_space<hbm>>) target(%dma_start3A_44 : memref<128xi32, #tpu.memory_space<vmem>>) target_semaphore(%run_scoped3A_38 : memref<!tpu.dma_semaphore, #tpu.memory_space<semaphore_mem>>)
        %dma_wait3A = arith.constant 0 : i32
        %dma_wait3A_46 = tpu.memref_slice %arg7[%run_scoped3A_35, %dma_wait3A] : memref<1x128xi32, #tpu.memory_space<vmem>> -> memref<1x128xi32, #tpu.memory_space<vmem>>
        %dma_wait3A_47 = tpu.memref_squeeze %dma_wait3A_46 : memref<1x128xi32, #tpu.memory_space<vmem>> -> memref<128xi32, #tpu.memory_space<vmem>>
        %dma_wait3A_48 = tpu.memref_slice %arg4[%mul3A_34] : memref<320000xi32, #tpu.memory_space<hbm>> -> memref<128xi32, #tpu.memory_space<hbm>>
        %dma_wait3A_49 = arith.constant 0 : i32
        %dma_wait3A_50 = tpu.memref_slice %arg7[%run_scoped3A_35, %dma_wait3A_49] : memref<1x128xi32, #tpu.memory_space<vmem>> -> memref<1x128xi32, #tpu.memory_space<vmem>>
        %dma_wait3A_51 = tpu.memref_squeeze %dma_wait3A_50 : memref<1x128xi32, #tpu.memory_space<vmem>> -> memref<128xi32, #tpu.memory_space<vmem>>
        %dma_wait3A_52 = tpu.memref_slice %arg4[%mul3A_34] : memref<320000xi32, #tpu.memory_space<hbm>> -> memref<128xi32, #tpu.memory_space<hbm>>
        tpu.wait_dma2 semaphore(%run_scoped3A_38 : memref<!tpu.dma_semaphore, #tpu.memory_space<semaphore_mem>>) src(%dma_wait3A_52 : memref<128xi32, #tpu.memory_space<hbm>>) dst(%dma_wait3A_51 : memref<128xi32, #tpu.memory_space<vmem>>)
        tpu.yield
      }) : () -> ()
      %run_scoped3A_36 = arith.constant 0 : i32
      "tpu.region"() ({
        %run_scoped3A_38 = tpu.sem_alloc : memref<!tpu.dma_semaphore, #tpu.memory_space<semaphore_mem>>
        %dma_start3A = arith.constant 0 : i32
        %dma_start3A_39 = tpu.memref_slice %arg6[%run_scoped3A_36, %dma_start3A] : memref<1x128xi32, #tpu.memory_space<vmem>> -> memref<1x128xi32, #tpu.memory_space<vmem>>
        %dma_start3A_40 = tpu.memref_squeeze %dma_start3A_39 : memref<1x128xi32, #tpu.memory_space<vmem>> -> memref<128xi32, #tpu.memory_space<vmem>>
        %dma_start3A_41 = arith.constant 0 : i32
        %dma_start3A_42 = arith.constant 0 : i32
        %dma_start3A_43 = tpu.memref_slice %arg2[%dma_start3A_41, %dma_start3A_42] : memref<10000x128xf32, #tpu.memory_space<hbm>> -> memref<10000x128xf32, #tpu.memory_space<hbm>>
        tpu.enqueue_indirect_dma source(%dma_start3A_43 : memref<10000x128xf32, #tpu.memory_space<hbm>>) target(%arg8 : memref<128x128xf32, #tpu.memory_space<vmem>>) offsets(%dma_start3A_40 : memref<128xi32, #tpu.memory_space<vmem>>) semaphore(%run_scoped3A_38 : memref<!tpu.dma_semaphore, #tpu.memory_space<semaphore_mem>>)
        %dma_wait3A = arith.constant 0 : i32
        %dma_wait3A_44 = tpu.memref_slice %arg6[%run_scoped3A_36, %dma_wait3A] : memref<1x128xi32, #tpu.memory_space<vmem>> -> memref<1x128xi32, #tpu.memory_space<vmem>>
        %dma_wait3A_45 = tpu.memref_squeeze %dma_wait3A_44 : memref<1x128xi32, #tpu.memory_space<vmem>> -> memref<128xi32, #tpu.memory_space<vmem>>
        %dma_wait3A_46 = arith.constant 0 : i32
        %dma_wait3A_47 = arith.constant 0 : i32
        %dma_wait3A_48 = tpu.memref_slice %arg2[%dma_wait3A_46, %dma_wait3A_47] : memref<10000x128xf32, #tpu.memory_space<hbm>> -> memref<10000x128xf32, #tpu.memory_space<hbm>>
        tpu.wait_indirect_dma semaphore(%run_scoped3A_38 : memref<!tpu.dma_semaphore, #tpu.memory_space<semaphore_mem>>) src(%dma_wait3A_48 : memref<10000x128xf32, #tpu.memory_space<hbm>>) dst(%arg8 : memref<128x128xf32, #tpu.memory_space<vmem>>)
        tpu.yield
      }) : () -> ()
      %run_scoped3A_37 = arith.constant 0 : i32
      "tpu.region"() ({
        %run_scoped3A_38 = tpu.sem_alloc : memref<!tpu.dma_semaphore, #tpu.memory_space<semaphore_mem>>
        %dma_start3A = arith.constant 0 : i32
        %dma_start3A_39 = tpu.memref_slice %arg7[%run_scoped3A_37, %dma_start3A] : memref<1x128xi32, #tpu.memory_space<vmem>> -> memref<1x128xi32, #tpu.memory_space<vmem>>
        %dma_start3A_40 = tpu.memref_squeeze %dma_start3A_39 : memref<1x128xi32, #tpu.memory_space<vmem>> -> memref<128xi32, #tpu.memory_space<vmem>>
        %dma_start3A_41 = arith.constant 0 : i32
        %dma_start3A_42 = arith.constant 0 : i32
        %dma_start3A_43 = tpu.memref_slice %arg10[%dma_start3A_41, %dma_start3A_42] : memref<10240x128xf32, #tpu.memory_space<vmem_shared>> -> memref<10240x128xf32, #tpu.memory_space<vmem_shared>>
        tpu.enqueue_indirect_dma source(%arg8 : memref<128x128xf32, #tpu.memory_space<vmem>>) target(%dma_start3A_43 : memref<10240x128xf32, #tpu.memory_space<vmem_shared>>) offsets(%dma_start3A_40 : memref<128xi32, #tpu.memory_space<vmem>>) semaphore(%run_scoped3A_38 : memref<!tpu.dma_semaphore, #tpu.memory_space<semaphore_mem>>) {add = true}
        %dma_wait3A = arith.constant 0 : i32
        %dma_wait3A_44 = tpu.memref_slice %arg7[%run_scoped3A_37, %dma_wait3A] : memref<1x128xi32, #tpu.memory_space<vmem>> -> memref<1x128xi32, #tpu.memory_space<vmem>>
        %dma_wait3A_45 = tpu.memref_squeeze %dma_wait3A_44 : memref<1x128xi32, #tpu.memory_space<vmem>> -> memref<128xi32, #tpu.memory_space<vmem>>
        %dma_wait3A_46 = arith.constant 0 : i32
        %dma_wait3A_47 = arith.constant 0 : i32
        %dma_wait3A_48 = tpu.memref_slice %arg10[%dma_wait3A_46, %dma_wait3A_47] : memref<10240x128xf32, #tpu.memory_space<vmem_shared>> -> memref<10240x128xf32, #tpu.memory_space<vmem_shared>>
        tpu.wait_indirect_dma semaphore(%run_scoped3A_38 : memref<!tpu.dma_semaphore, #tpu.memory_space<semaphore_mem>>) src(%arg8 : memref<128x128xf32, #tpu.memory_space<vmem>>) dst(%dma_wait3A_48 : memref<10240x128xf32, #tpu.memory_space<vmem_shared>>)
        tpu.yield
      }) : () -> ()
    }
    %while3A_27 = arith.constant 1 : i32
    scf.for %while3A_29 = %while3A_25 to %while3A_21 step %while3A_27  : i32 {
      %mul3A_30 = arith.constant 32 : i32
      %mul3A_31 = arith.muli %while3A_29, %mul3A_30 : i32
      %add3A_32 = arith.addi %mul3A_31, %add3A : i32
      %mul3A_33 = arith.constant 128 : i32
      %mul3A_34 = arith.muli %add3A_32, %mul3A_33 : i32
      %run_scoped3A = arith.constant 0 : i32
      "tpu.region"() ({
        %run_scoped3A_38 = tpu.sem_alloc : memref<!tpu.dma_semaphore, #tpu.memory_space<semaphore_mem>>
        %dma_start3A = arith.constant 0 : i32
        %dma_start3A_39 = tpu.memref_slice %arg6[%run_scoped3A, %dma_start3A] : memref<1x128xi32, #tpu.memory_space<vmem>> -> memref<1x128xi32, #tpu.memory_space<vmem>>
        %dma_start3A_40 = tpu.memref_squeeze %dma_start3A_39 : memref<1x128xi32, #tpu.memory_space<vmem>> -> memref<128xi32, #tpu.memory_space<vmem>>
        %dma_start3A_41 = tpu.memref_slice %arg3[%mul3A_34] : memref<320000xi32, #tpu.memory_space<hbm>> -> memref<128xi32, #tpu.memory_space<hbm>>
        %dma_start3A_42 = arith.constant 0 : i32
        %dma_start3A_43 = tpu.memref_slice %arg6[%run_scoped3A, %dma_start3A_42] : memref<1x128xi32, #tpu.memory_space<vmem>> -> memref<1x128xi32, #tpu.memory_space<vmem>>
        %dma_start3A_44 = tpu.memref_squeeze %dma_start3A_43 : memref<1x128xi32, #tpu.memory_space<vmem>> -> memref<128xi32, #tpu.memory_space<vmem>>
        %dma_start3A_45 = tpu.memref_slice %arg3[%mul3A_34] : memref<320000xi32, #tpu.memory_space<hbm>> -> memref<128xi32, #tpu.memory_space<hbm>>
        tpu.enqueue_dma source(%dma_start3A_45 : memref<128xi32, #tpu.memory_space<hbm>>) target(%dma_start3A_44 : memref<128xi32, #tpu.memory_space<vmem>>) target_semaphore(%run_scoped3A_38 : memref<!tpu.dma_semaphore, #tpu.memory_space<semaphore_mem>>)
        %dma_wait3A = arith.constant 0 : i32
        %dma_wait3A_46 = tpu.memref_slice %arg6[%run_scoped3A, %dma_wait3A] : memref<1x128xi32, #tpu.memory_space<vmem>> -> memref<1x128xi32, #tpu.memory_space<vmem>>
        %dma_wait3A_47 = tpu.memref_squeeze %dma_wait3A_46 : memref<1x128xi32, #tpu.memory_space<vmem>> -> memref<128xi32, #tpu.memory_space<vmem>>
        %dma_wait3A_48 = tpu.memref_slice %arg3[%mul3A_34] : memref<320000xi32, #tpu.memory_space<hbm>> -> memref<128xi32, #tpu.memory_space<hbm>>
        %dma_wait3A_49 = arith.constant 0 : i32
        %dma_wait3A_50 = tpu.memref_slice %arg6[%run_scoped3A, %dma_wait3A_49] : memref<1x128xi32, #tpu.memory_space<vmem>> -> memref<1x128xi32, #tpu.memory_space<vmem>>
        %dma_wait3A_51 = tpu.memref_squeeze %dma_wait3A_50 : memref<1x128xi32, #tpu.memory_space<vmem>> -> memref<128xi32, #tpu.memory_space<vmem>>
        %dma_wait3A_52 = tpu.memref_slice %arg3[%mul3A_34] : memref<320000xi32, #tpu.memory_space<hbm>> -> memref<128xi32, #tpu.memory_space<hbm>>
        tpu.wait_dma2 semaphore(%run_scoped3A_38 : memref<!tpu.dma_semaphore, #tpu.memory_space<semaphore_mem>>) src(%dma_wait3A_52 : memref<128xi32, #tpu.memory_space<hbm>>) dst(%dma_wait3A_51 : memref<128xi32, #tpu.memory_space<vmem>>)
        tpu.yield
      }) : () -> ()
      %run_scoped3A_35 = arith.constant 0 : i32
      "tpu.region"() ({
        %run_scoped3A_38 = tpu.sem_alloc : memref<!tpu.dma_semaphore, #tpu.memory_space<semaphore_mem>>
        %dma_start3A = arith.constant 0 : i32
        %dma_start3A_39 = tpu.memref_slice %arg7[%run_scoped3A_35, %dma_start3A] : memref<1x128xi32, #tpu.memory_space<vmem>> -> memref<1x128xi32, #tpu.memory_space<vmem>>
        %dma_start3A_40 = tpu.memref_squeeze %dma_start3A_39 : memref<1x128xi32, #tpu.memory_space<vmem>> -> memref<128xi32, #tpu.memory_space<vmem>>
        %dma_start3A_41 = tpu.memref_slice %arg4[%mul3A_34] : memref<320000xi32, #tpu.memory_space<hbm>> -> memref<128xi32, #tpu.memory_space<hbm>>
        %dma_start3A_42 = arith.constant 0 : i32
        %dma_start3A_43 = tpu.memref_slice %arg7[%run_scoped3A_35, %dma_start3A_42] : memref<1x128xi32, #tpu.memory_space<vmem>> -> memref<1x128xi32, #tpu.memory_space<vmem>>
        %dma_start3A_44 = tpu.memref_squeeze %dma_start3A_43 : memref<1x128xi32, #tpu.memory_space<vmem>> -> memref<128xi32, #tpu.memory_space<vmem>>
        %dma_start3A_45 = tpu.memref_slice %arg4[%mul3A_34] : memref<320000xi32, #tpu.memory_space<hbm>> -> memref<128xi32, #tpu.memory_space<hbm>>
        tpu.enqueue_dma source(%dma_start3A_45 : memref<128xi32, #tpu.memory_space<hbm>>) target(%dma_start3A_44 : memref<128xi32, #tpu.memory_space<vmem>>) target_semaphore(%run_scoped3A_38 : memref<!tpu.dma_semaphore, #tpu.memory_space<semaphore_mem>>)
        %dma_wait3A = arith.constant 0 : i32
        %dma_wait3A_46 = tpu.memref_slice %arg7[%run_scoped3A_35, %dma_wait3A] : memref<1x128xi32, #tpu.memory_space<vmem>> -> memref<1x128xi32, #tpu.memory_space<vmem>>
        %dma_wait3A_47 = tpu.memref_squeeze %dma_wait3A_46 : memref<1x128xi32, #tpu.memory_space<vmem>> -> memref<128xi32, #tpu.memory_space<vmem>>
        %dma_wait3A_48 = tpu.memref_slice %arg4[%mul3A_34] : memref<320000xi32, #tpu.memory_space<hbm>> -> memref<128xi32, #tpu.memory_space<hbm>>
        %dma_wait3A_49 = arith.constant 0 : i32
        %dma_wait3A_50 = tpu.memref_slice %arg7[%run_scoped3A_35, %dma_wait3A_49] : memref<1x128xi32, #tpu.memory_space<vmem>> -> memref<1x128xi32, #tpu.memory_space<vmem>>
        %dma_wait3A_51 = tpu.memref_squeeze %dma_wait3A_50 : memref<1x128xi32, #tpu.memory_space<vmem>> -> memref<128xi32, #tpu.memory_space<vmem>>
        %dma_wait3A_52 = tpu.memref_slice %arg4[%mul3A_34] : memref<320000xi32, #tpu.memory_space<hbm>> -> memref<128xi32, #tpu.memory_space<hbm>>
        tpu.wait_dma2 semaphore(%run_scoped3A_38 : memref<!tpu.dma_semaphore, #tpu.memory_space<semaphore_mem>>) src(%dma_wait3A_52 : memref<128xi32, #tpu.memory_space<hbm>>) dst(%dma_wait3A_51 : memref<128xi32, #tpu.memory_space<vmem>>)
        tpu.yield
      }) : () -> ()
      %run_scoped3A_36 = arith.constant 0 : i32
      "tpu.region"() ({
        %run_scoped3A_38 = tpu.sem_alloc : memref<!tpu.dma_semaphore, #tpu.memory_space<semaphore_mem>>
        %dma_start3A = arith.constant 0 : i32
        %dma_start3A_39 = tpu.memref_slice %arg6[%run_scoped3A_36, %dma_start3A] : memref<1x128xi32, #tpu.memory_space<vmem>> -> memref<1x128xi32, #tpu.memory_space<vmem>>
        %dma_start3A_40 = tpu.memref_squeeze %dma_start3A_39 : memref<1x128xi32, #tpu.memory_space<vmem>> -> memref<128xi32, #tpu.memory_space<vmem>>
        %dma_start3A_41 = arith.constant 0 : i32
        %dma_start3A_42 = arith.constant 0 : i32
        %dma_start3A_43 = tpu.memref_slice %arg2[%dma_start3A_41, %dma_start3A_42] : memref<10000x128xf32, #tpu.memory_space<hbm>> -> memref<10000x128xf32, #tpu.memory_space<hbm>>
        tpu.enqueue_indirect_dma source(%dma_start3A_43 : memref<10000x128xf32, #tpu.memory_space<hbm>>) target(%arg8 : memref<128x128xf32, #tpu.memory_space<vmem>>) offsets(%dma_start3A_40 : memref<128xi32, #tpu.memory_space<vmem>>) semaphore(%run_scoped3A_38 : memref<!tpu.dma_semaphore, #tpu.memory_space<semaphore_mem>>)
        %dma_wait3A = arith.constant 0 : i32
        %dma_wait3A_44 = tpu.memref_slice %arg6[%run_scoped3A_36, %dma_wait3A] : memref<1x128xi32, #tpu.memory_space<vmem>> -> memref<1x128xi32, #tpu.memory_space<vmem>>
        %dma_wait3A_45 = tpu.memref_squeeze %dma_wait3A_44 : memref<1x128xi32, #tpu.memory_space<vmem>> -> memref<128xi32, #tpu.memory_space<vmem>>
        %dma_wait3A_46 = arith.constant 0 : i32
        %dma_wait3A_47 = arith.constant 0 : i32
        %dma_wait3A_48 = tpu.memref_slice %arg2[%dma_wait3A_46, %dma_wait3A_47] : memref<10000x128xf32, #tpu.memory_space<hbm>> -> memref<10000x128xf32, #tpu.memory_space<hbm>>
        tpu.wait_indirect_dma semaphore(%run_scoped3A_38 : memref<!tpu.dma_semaphore, #tpu.memory_space<semaphore_mem>>) src(%dma_wait3A_48 : memref<10000x128xf32, #tpu.memory_space<hbm>>) dst(%arg8 : memref<128x128xf32, #tpu.memory_space<vmem>>)
        tpu.yield
      }) : () -> ()
      %run_scoped3A_37 = arith.constant 0 : i32
      "tpu.region"() ({
        %run_scoped3A_38 = tpu.sem_alloc : memref<!tpu.dma_semaphore, #tpu.memory_space<semaphore_mem>>
        %dma_start3A = arith.constant 0 : i32
        %dma_start3A_39 = tpu.memref_slice %arg7[%run_scoped3A_37, %dma_start3A] : memref<1x128xi32, #tpu.memory_space<vmem>> -> memref<1x128xi32, #tpu.memory_space<vmem>>
        %dma_start3A_40 = tpu.memref_squeeze %dma_start3A_39 : memref<1x128xi32, #tpu.memory_space<vmem>> -> memref<128xi32, #tpu.memory_space<vmem>>
        %dma_start3A_41 = arith.constant 0 : i32
        %dma_start3A_42 = arith.constant 0 : i32
        %dma_start3A_43 = tpu.memref_slice %arg10[%dma_start3A_41, %dma_start3A_42] : memref<10240x128xf32, #tpu.memory_space<vmem_shared>> -> memref<10240x128xf32, #tpu.memory_space<vmem_shared>>
        tpu.enqueue_indirect_dma source(%arg8 : memref<128x128xf32, #tpu.memory_space<vmem>>) target(%dma_start3A_43 : memref<10240x128xf32, #tpu.memory_space<vmem_shared>>) offsets(%dma_start3A_40 : memref<128xi32, #tpu.memory_space<vmem>>) semaphore(%run_scoped3A_38 : memref<!tpu.dma_semaphore, #tpu.memory_space<semaphore_mem>>) {add = true}
        %dma_wait3A = arith.constant 0 : i32
        %dma_wait3A_44 = tpu.memref_slice %arg7[%run_scoped3A_37, %dma_wait3A] : memref<1x128xi32, #tpu.memory_space<vmem>> -> memref<1x128xi32, #tpu.memory_space<vmem>>
        %dma_wait3A_45 = tpu.memref_squeeze %dma_wait3A_44 : memref<1x128xi32, #tpu.memory_space<vmem>> -> memref<128xi32, #tpu.memory_space<vmem>>
        %dma_wait3A_46 = arith.constant 0 : i32
        %dma_wait3A_47 = arith.constant 0 : i32
        %dma_wait3A_48 = tpu.memref_slice %arg10[%dma_wait3A_46, %dma_wait3A_47] : memref<10240x128xf32, #tpu.memory_space<vmem_shared>> -> memref<10240x128xf32, #tpu.memory_space<vmem_shared>>
        tpu.wait_indirect_dma semaphore(%run_scoped3A_38 : memref<!tpu.dma_semaphore, #tpu.memory_space<semaphore_mem>>) src(%arg8 : memref<128x128xf32, #tpu.memory_space<vmem>>) dst(%dma_wait3A_48 : memref<10240x128xf32, #tpu.memory_space<vmem_shared>>)
        tpu.yield
      }) : () -> ()
    }
    %barrier3A_28 = arith.constant 0 : index
    tpu.barrier barrier_id(%barrier3A_28)
    "tpu.region"() ({
      %run_scoped3A = tpu.sem_alloc : memref<!tpu.dma_semaphore, #tpu.memory_space<semaphore_mem>>
      %dma_start3A = arith.constant 0 : i32
      %dma_start3A_29 = tpu.memref_slice %arg5[%arg0, %mul3A_8, %dma_start3A] : memref<2x10240x128xf32, #tpu.memory_space<hbm>> -> memref<1x640x128xf32, #tpu.memory_space<hbm>>
      %dma_start3A_30 = tpu.memref_squeeze %dma_start3A_29 : memref<1x640x128xf32, #tpu.memory_space<hbm>> -> memref<640x128xf32, #tpu.memory_space<hbm>>
      %dma_start3A_31 = arith.constant 0 : i32
      %dma_start3A_32 = tpu.memref_slice %arg10[%mul3A_8, %dma_start3A_31] : memref<10240x128xf32, #tpu.memory_space<vmem_shared>> -> memref<640x128xf32, #tpu.memory_space<vmem_shared>>
      tpu.enqueue_dma source(%dma_start3A_32 : memref<640x128xf32, #tpu.memory_space<vmem_shared>>) target(%dma_start3A_30 : memref<640x128xf32, #tpu.memory_space<hbm>>) target_semaphore(%run_scoped3A : memref<!tpu.dma_semaphore, #tpu.memory_space<semaphore_mem>>)
      %dma_wait3A = arith.constant 0 : i32
      %dma_wait3A_33 = tpu.memref_slice %arg5[%arg0, %mul3A_8, %dma_wait3A] : memref<2x10240x128xf32, #tpu.memory_space<hbm>> -> memref<1x640x128xf32, #tpu.memory_space<hbm>>
      %dma_wait3A_34 = tpu.memref_squeeze %dma_wait3A_33 : memref<1x640x128xf32, #tpu.memory_space<hbm>> -> memref<640x128xf32, #tpu.memory_space<hbm>>
      %dma_wait3A_35 = arith.constant 0 : i32
      %dma_wait3A_36 = tpu.memref_slice %arg10[%mul3A_8, %dma_wait3A_35] : memref<10240x128xf32, #tpu.memory_space<vmem_shared>> -> memref<640x128xf32, #tpu.memory_space<vmem_shared>>
      tpu.wait_dma2 semaphore(%run_scoped3A : memref<!tpu.dma_semaphore, #tpu.memory_space<semaphore_mem>>) src(%dma_wait3A_36 : memref<640x128xf32, #tpu.memory_space<vmem_shared>>) dst(%dma_wait3A_34 : memref<640x128xf32, #tpu.memory_space<hbm>>)
      tpu.yield
    }) : () -> ()
    return
  }
}

#map = affine_map<(d0, d1) -> (0)>
#map1 = affine_map<(d0, d1) -> (0, 0, 0)>
module attributes {stable_mosaic.version = 14 : i64} {
  func.func @body(%arg0: i32, %arg1: i32, %arg2: memref<320000xi32, #tpu.memory_space<hbm>>, %arg3: memref<2x8x10240xf32, #tpu.memory_space<hbm>>, %arg4: memref<10000xi32, #tpu.memory_space<vmem>>, %arg5: memref<10240xf32, #tpu.memory_space<vmem>>, %arg6: memref<10240xf32, #tpu.memory_space<vmem>>, %arg7: memref<640xf32, #tpu.memory_space<vmem>>, %arg8: memref<163840xf32, #tpu.memory_space<vmem_shared>>) attributes {dimension_semantics = [#tpu.dimension_semantics<core_parallel>, #tpu.dimension_semantics<subcore_parallel>], iteration_bounds = array<i64: 2, 16>, scalar_prefetch = 0 : i64, scratch_operands = 5 : i64, tpu.core_type = #tpu.core_type<sc_vector_subcore>, window_params = [{transform_indices = #map}, {transform_indices = #map1}]} {
    %mul3A = arith.constant 2 : i32
    %mul3A_0 = arith.muli %arg1, %mul3A : i32
    %add3A = arith.addi %mul3A_0, %arg0 : i32
    %mul3A_1 = arith.constant 10000 : i32
    %mul3A_2 = arith.muli %add3A, %mul3A_1 : i32
    "tpu.region"() ({
      %run_scoped3A_41 = tpu.sem_alloc : memref<!tpu.dma_semaphore, #tpu.memory_space<semaphore_mem>>
      %dma_start3A = tpu.memref_slice %arg2[%mul3A_2] : memref<320000xi32, #tpu.memory_space<hbm>> -> memref<10000xi32, #tpu.memory_space<hbm>>
      %dma_start3A_42 = tpu.memref_slice %arg2[%mul3A_2] : memref<320000xi32, #tpu.memory_space<hbm>> -> memref<10000xi32, #tpu.memory_space<hbm>>
      tpu.enqueue_dma source(%dma_start3A_42 : memref<10000xi32, #tpu.memory_space<hbm>>) target(%arg4 : memref<10000xi32, #tpu.memory_space<vmem>>) target_semaphore(%run_scoped3A_41 : memref<!tpu.dma_semaphore, #tpu.memory_space<semaphore_mem>>)
      %dma_wait3A = tpu.memref_slice %arg2[%mul3A_2] : memref<320000xi32, #tpu.memory_space<hbm>> -> memref<10000xi32, #tpu.memory_space<hbm>>
      %dma_wait3A_43 = tpu.memref_slice %arg2[%mul3A_2] : memref<320000xi32, #tpu.memory_space<hbm>> -> memref<10000xi32, #tpu.memory_space<hbm>>
      tpu.wait_dma2 semaphore(%run_scoped3A_41 : memref<!tpu.dma_semaphore, #tpu.memory_space<semaphore_mem>>) src(%dma_wait3A_43 : memref<10000xi32, #tpu.memory_space<hbm>>) dst(%arg4 : memref<10000xi32, #tpu.memory_space<vmem>>)
      tpu.yield
    }) : () -> ()
    %broadcast_in_dim3A = arith.constant 0.000000e+00 : f32
    %broadcast_in_dim3A_3 = vector.broadcast %broadcast_in_dim3A : f32 to vector<16xf32>
    %scan3A = arith.constant 0 : i32
    %scan3A_4 = arith.constant 0 : i32
    %scan3A_5 = arith.constant 640 : i32
    %scan3A_6 = arith.addi %scan3A_4, %scan3A_5 : i32
    %scan3A_7 = arith.constant 1 : i32
    scf.for %scan3A_41 = %scan3A_4 to %scan3A_6 step %scan3A_7  : i32 {
      %mul3A_42 = arith.constant 16 : i32
      %mul3A_43 = arith.muli %scan3A_41, %mul3A_42 : i32
      %swap3A = arith.index_cast %mul3A_43 : i32 to index
      %swap3A_44 = tpu.vector_load %arg5[%swap3A] {strides = array<i32>} : memref<10240xf32, #tpu.memory_space<vmem>>, vector<16xf32>,
      tpu.vector_store %arg5[%swap3A], %broadcast_in_dim3A_3 {strides = array<i32>} : memref<10240xf32, #tpu.memory_space<vmem>>, vector<16xf32>,
    }
    %scan3A_8 = arith.constant 640 : i32
    %broadcast_in_dim3A_9 = arith.constant 1.000000e+00 : f32
    %broadcast_in_dim3A_10 = vector.broadcast %broadcast_in_dim3A_9 : f32 to vector<16xf32>
    %scan3A_11 = arith.constant 0 : i32
    %scan3A_12 = arith.constant 0 : i32
    %scan3A_13 = arith.constant 78 : i32
    %scan3A_14 = arith.addi %scan3A_12, %scan3A_13 : i32
    %scan3A_15 = arith.constant 1 : i32
    scf.for %scan3A_41 = %scan3A_12 to %scan3A_14 step %scan3A_15  : i32 {
      %mul3A_42 = arith.constant 8 : i32
      %mul3A_43 = arith.muli %scan3A_41, %mul3A_42 : i32
      %add3A_44 = arith.constant 0 : i32
      %add3A_45 = arith.addi %mul3A_43, %add3A_44 : i32
      %mul3A_46 = arith.constant 16 : i32
      %mul3A_47 = arith.muli %add3A_45, %mul3A_46 : i32
      %get3A_48 = arith.index_cast %mul3A_47 : i32 to index
      %get3A_49 = tpu.vector_load %arg4[%get3A_48] {strides = array<i32>} : memref<10000xi32, #tpu.memory_space<vmem>>, vector<16xi32>,
      tpu.vector_store_idx %arg5[%get3A_49], %broadcast_in_dim3A_10 {add = true} : memref<10240xf32, #tpu.memory_space<vmem>>[vector<16xi32>], vector<16xf32>,
      %mul3A_50 = arith.constant 8 : i32
      %mul3A_51 = arith.muli %scan3A_41, %mul3A_50 : i32
      %add3A_52 = arith.constant 1 : i32
      %add3A_53 = arith.addi %mul3A_51, %add3A_52 : i32
      %mul3A_54 = arith.constant 16 : i32
      %mul3A_55 = arith.muli %add3A_53, %mul3A_54 : i32
      %get3A_56 = arith.index_cast %mul3A_55 : i32 to index
      %get3A_57 = tpu.vector_load %arg4[%get3A_56] {strides = array<i32>} : memref<10000xi32, #tpu.memory_space<vmem>>, vector<16xi32>,
      tpu.vector_store_idx %arg5[%get3A_57], %broadcast_in_dim3A_10 {add = true} : memref<10240xf32, #tpu.memory_space<vmem>>[vector<16xi32>], vector<16xf32>,
      %mul3A_58 = arith.constant 8 : i32
      %mul3A_59 = arith.muli %scan3A_41, %mul3A_58 : i32
      %add3A_60 = arith.constant 2 : i32
      %add3A_61 = arith.addi %mul3A_59, %add3A_60 : i32
      %mul3A_62 = arith.constant 16 : i32
      %mul3A_63 = arith.muli %add3A_61, %mul3A_62 : i32
      %get3A_64 = arith.index_cast %mul3A_63 : i32 to index
      %get3A_65 = tpu.vector_load %arg4[%get3A_64] {strides = array<i32>} : memref<10000xi32, #tpu.memory_space<vmem>>, vector<16xi32>,
      tpu.vector_store_idx %arg5[%get3A_65], %broadcast_in_dim3A_10 {add = true} : memref<10240xf32, #tpu.memory_space<vmem>>[vector<16xi32>], vector<16xf32>,
      %mul3A_66 = arith.constant 8 : i32
      %mul3A_67 = arith.muli %scan3A_41, %mul3A_66 : i32
      %add3A_68 = arith.constant 3 : i32
      %add3A_69 = arith.addi %mul3A_67, %add3A_68 : i32
      %mul3A_70 = arith.constant 16 : i32
      %mul3A_71 = arith.muli %add3A_69, %mul3A_70 : i32
      %get3A_72 = arith.index_cast %mul3A_71 : i32 to index
      %get3A_73 = tpu.vector_load %arg4[%get3A_72] {strides = array<i32>} : memref<10000xi32, #tpu.memory_space<vmem>>, vector<16xi32>,
      tpu.vector_store_idx %arg5[%get3A_73], %broadcast_in_dim3A_10 {add = true} : memref<10240xf32, #tpu.memory_space<vmem>>[vector<16xi32>], vector<16xf32>,
      %mul3A_74 = arith.constant 8 : i32
      %mul3A_75 = arith.muli %scan3A_41, %mul3A_74 : i32
      %add3A_76 = arith.constant 4 : i32
      %add3A_77 = arith.addi %mul3A_75, %add3A_76 : i32
      %mul3A_78 = arith.constant 16 : i32
      %mul3A_79 = arith.muli %add3A_77, %mul3A_78 : i32
      %get3A_80 = arith.index_cast %mul3A_79 : i32 to index
      %get3A_81 = tpu.vector_load %arg4[%get3A_80] {strides = array<i32>} : memref<10000xi32, #tpu.memory_space<vmem>>, vector<16xi32>,
      tpu.vector_store_idx %arg5[%get3A_81], %broadcast_in_dim3A_10 {add = true} : memref<10240xf32, #tpu.memory_space<vmem>>[vector<16xi32>], vector<16xf32>,
      %mul3A_82 = arith.constant 8 : i32
      %mul3A_83 = arith.muli %scan3A_41, %mul3A_82 : i32
      %add3A_84 = arith.constant 5 : i32
      %add3A_85 = arith.addi %mul3A_83, %add3A_84 : i32
      %mul3A_86 = arith.constant 16 : i32
      %mul3A_87 = arith.muli %add3A_85, %mul3A_86 : i32
      %get3A_88 = arith.index_cast %mul3A_87 : i32 to index
      %get3A_89 = tpu.vector_load %arg4[%get3A_88] {strides = array<i32>} : memref<10000xi32, #tpu.memory_space<vmem>>, vector<16xi32>,
      tpu.vector_store_idx %arg5[%get3A_89], %broadcast_in_dim3A_10 {add = true} : memref<10240xf32, #tpu.memory_space<vmem>>[vector<16xi32>], vector<16xf32>,
      %mul3A_90 = arith.constant 8 : i32
      %mul3A_91 = arith.muli %scan3A_41, %mul3A_90 : i32
      %add3A_92 = arith.constant 6 : i32
      %add3A_93 = arith.addi %mul3A_91, %add3A_92 : i32
      %mul3A_94 = arith.constant 16 : i32
      %mul3A_95 = arith.muli %add3A_93, %mul3A_94 : i32
      %get3A_96 = arith.index_cast %mul3A_95 : i32 to index
      %get3A_97 = tpu.vector_load %arg4[%get3A_96] {strides = array<i32>} : memref<10000xi32, #tpu.memory_space<vmem>>, vector<16xi32>,
      tpu.vector_store_idx %arg5[%get3A_97], %broadcast_in_dim3A_10 {add = true} : memref<10240xf32, #tpu.memory_space<vmem>>[vector<16xi32>], vector<16xf32>,
      %mul3A_98 = arith.constant 8 : i32
      %mul3A_99 = arith.muli %scan3A_41, %mul3A_98 : i32
      %add3A_100 = arith.constant 7 : i32
      %add3A_101 = arith.addi %mul3A_99, %add3A_100 : i32
      %mul3A_102 = arith.constant 16 : i32
      %mul3A_103 = arith.muli %add3A_101, %mul3A_102 : i32
      %get3A_104 = arith.index_cast %mul3A_103 : i32 to index
      %get3A_105 = tpu.vector_load %arg4[%get3A_104] {strides = array<i32>} : memref<10000xi32, #tpu.memory_space<vmem>>, vector<16xi32>,
      tpu.vector_store_idx %arg5[%get3A_105], %broadcast_in_dim3A_10 {add = true} : memref<10240xf32, #tpu.memory_space<vmem>>[vector<16xi32>], vector<16xf32>,
    }
    %scan3A_16 = arith.constant 78 : i32
    %scan3A_17 = arith.constant 0 : i32
    %scan3A_18 = arith.constant 0 : i32
    %mul3A_19 = arith.constant 16 : i32
    %mul3A_20 = arith.muli %scan3A_18, %mul3A_19 : i32
    %add3A_21 = arith.constant 9984 : i32
    %add3A_22 = arith.addi %add3A_21, %mul3A_20 : i32
    %get3A = arith.index_cast %add3A_22 : i32 to index
    %get3A_23 = tpu.vector_load %arg4[%get3A] {strides = array<i32>} : memref<10000xi32, #tpu.memory_space<vmem>>, vector<16xi32>,
    tpu.vector_store_idx %arg5[%get3A_23], %broadcast_in_dim3A_10 {add = true} : memref<10240xf32, #tpu.memory_space<vmem>>[vector<16xi32>], vector<16xf32>,
    %scan3A_24 = arith.constant 1 : i32
    %mul3A_25 = arith.constant 10240 : i32
    %mul3A_26 = arith.muli %arg1, %mul3A_25 : i32
    "tpu.region"() ({
      %run_scoped3A_41 = tpu.sem_alloc : memref<!tpu.dma_semaphore, #tpu.memory_space<semaphore_mem>>
      %dma_start3A = tpu.memref_slice %arg8[%mul3A_26] : memref<163840xf32, #tpu.memory_space<vmem_shared>> -> memref<10240xf32, #tpu.memory_space<vmem_shared>>
      %dma_start3A_42 = tpu.memref_slice %arg8[%mul3A_26] : memref<163840xf32, #tpu.memory_space<vmem_shared>> -> memref<10240xf32, #tpu.memory_space<vmem_shared>>
      tpu.enqueue_dma source(%arg5 : memref<10240xf32, #tpu.memory_space<vmem>>) target(%dma_start3A_42 : memref<10240xf32, #tpu.memory_space<vmem_shared>>) target_semaphore(%run_scoped3A_41 : memref<!tpu.dma_semaphore, #tpu.memory_space<semaphore_mem>>)
      %dma_wait3A = tpu.memref_slice %arg8[%mul3A_26] : memref<163840xf32, #tpu.memory_space<vmem_shared>> -> memref<10240xf32, #tpu.memory_space<vmem_shared>>
      %dma_wait3A_43 = tpu.memref_slice %arg8[%mul3A_26] : memref<163840xf32, #tpu.memory_space<vmem_shared>> -> memref<10240xf32, #tpu.memory_space<vmem_shared>>
      tpu.wait_dma2 semaphore(%run_scoped3A_41 : memref<!tpu.dma_semaphore, #tpu.memory_space<semaphore_mem>>) src(%arg5 : memref<10240xf32, #tpu.memory_space<vmem>>) dst(%dma_wait3A_43 : memref<10240xf32, #tpu.memory_space<vmem_shared>>)
      tpu.yield
    }) : () -> ()
    %barrier3A = arith.constant 0 : index
    tpu.barrier barrier_id(%barrier3A)
    %mul3A_27 = arith.constant 640 : i32
    %mul3A_28 = arith.muli %arg1, %mul3A_27 : i32
    %scan3A_29 = arith.constant 0 : i32
    %scan3A_30 = arith.constant 0 : i32
    %scan3A_31 = arith.constant 16 : i32
    %scan3A_32 = arith.addi %scan3A_30, %scan3A_31 : i32
    %scan3A_33 = arith.constant 1 : i32
    scf.for %scan3A_41 = %scan3A_30 to %scan3A_32 step %scan3A_33  : i32 {
      %mul3A_42 = arith.constant 10240 : i32
      %mul3A_43 = arith.muli %scan3A_41, %mul3A_42 : i32
      %add3A_44 = arith.addi %mul3A_43, %mul3A_28 : i32
      %mul3A_45 = arith.constant 640 : i32
      %mul3A_46 = arith.muli %scan3A_41, %mul3A_45 : i32
      "tpu.region"() ({
        %run_scoped3A_47 = tpu.sem_alloc : memref<!tpu.dma_semaphore, #tpu.memory_space<semaphore_mem>>
        %dma_start3A = tpu.memref_slice %arg6[%mul3A_46] : memref<10240xf32, #tpu.memory_space<vmem>> -> memref<640xf32, #tpu.memory_space<vmem>>
        %dma_start3A_48 = tpu.memref_slice %arg8[%add3A_44] : memref<163840xf32, #tpu.memory_space<vmem_shared>> -> memref<640xf32, #tpu.memory_space<vmem_shared>>
        %dma_start3A_49 = tpu.memref_slice %arg6[%mul3A_46] : memref<10240xf32, #tpu.memory_space<vmem>> -> memref<640xf32, #tpu.memory_space<vmem>>
        %dma_start3A_50 = tpu.memref_slice %arg8[%add3A_44] : memref<163840xf32, #tpu.memory_space<vmem_shared>> -> memref<640xf32, #tpu.memory_space<vmem_shared>>
        tpu.enqueue_dma source(%dma_start3A_50 : memref<640xf32, #tpu.memory_space<vmem_shared>>) target(%dma_start3A_49 : memref<640xf32, #tpu.memory_space<vmem>>) target_semaphore(%run_scoped3A_47 : memref<!tpu.dma_semaphore, #tpu.memory_space<semaphore_mem>>)
        %dma_wait3A = tpu.memref_slice %arg6[%mul3A_46] : memref<10240xf32, #tpu.memory_space<vmem>> -> memref<640xf32, #tpu.memory_space<vmem>>
        %dma_wait3A_51 = tpu.memref_slice %arg8[%add3A_44] : memref<163840xf32, #tpu.memory_space<vmem_shared>> -> memref<640xf32, #tpu.memory_space<vmem_shared>>
        %dma_wait3A_52 = tpu.memref_slice %arg6[%mul3A_46] : memref<10240xf32, #tpu.memory_space<vmem>> -> memref<640xf32, #tpu.memory_space<vmem>>
        %dma_wait3A_53 = tpu.memref_slice %arg8[%add3A_44] : memref<163840xf32, #tpu.memory_space<vmem_shared>> -> memref<640xf32, #tpu.memory_space<vmem_shared>>
        tpu.wait_dma2 semaphore(%run_scoped3A_47 : memref<!tpu.dma_semaphore, #tpu.memory_space<semaphore_mem>>) src(%dma_wait3A_53 : memref<640xf32, #tpu.memory_space<vmem_shared>>) dst(%dma_wait3A_52 : memref<640xf32, #tpu.memory_space<vmem>>)
        tpu.yield
      }) : () -> ()
    }
    %scan3A_34 = arith.constant 16 : i32
    %scan3A_35 = arith.constant 0 : i32
    %scan3A_36 = arith.constant 0 : i32
    %scan3A_37 = arith.constant 40 : i32
    %scan3A_38 = arith.addi %scan3A_36, %scan3A_37 : i32
    %scan3A_39 = arith.constant 1 : i32
    scf.for %scan3A_41 = %scan3A_36 to %scan3A_38 step %scan3A_39  : i32 {
      %mul3A_42 = arith.constant 16 : i32
      %mul3A_43 = arith.muli %scan3A_41, %mul3A_42 : i32
      %get3A_44 = arith.index_cast %mul3A_43 : i32 to index
      %get3A_45 = tpu.vector_load %arg6[%get3A_44] {strides = array<i32>} : memref<10240xf32, #tpu.memory_space<vmem>>, vector<16xf32>,
      %mul3A_46 = arith.constant 16 : i32
      %mul3A_47 = arith.muli %scan3A_41, %mul3A_46 : i32
      %add3A_48 = arith.constant 640 : i32
      %add3A_49 = arith.addi %add3A_48, %mul3A_47 : i32
      %get3A_50 = arith.index_cast %add3A_49 : i32 to index
      %get3A_51 = tpu.vector_load %arg6[%get3A_50] {strides = array<i32>} : memref<10240xf32, #tpu.memory_space<vmem>>, vector<16xf32>,
      %add3A_52 = arith.addf %get3A_45, %get3A_51 : vector<16xf32>
      %mul3A_53 = arith.constant 16 : i32
      %mul3A_54 = arith.muli %scan3A_41, %mul3A_53 : i32
      %add3A_55 = arith.constant 1280 : i32
      %add3A_56 = arith.addi %add3A_55, %mul3A_54 : i32
      %get3A_57 = arith.index_cast %add3A_56 : i32 to index
      %get3A_58 = tpu.vector_load %arg6[%get3A_57] {strides = array<i32>} : memref<10240xf32, #tpu.memory_space<vmem>>, vector<16xf32>,
      %add3A_59 = arith.addf %add3A_52, %get3A_58 : vector<16xf32>
      %mul3A_60 = arith.constant 16 : i32
      %mul3A_61 = arith.muli %scan3A_41, %mul3A_60 : i32
      %add3A_62 = arith.constant 1920 : i32
      %add3A_63 = arith.addi %add3A_62, %mul3A_61 : i32
      %get3A_64 = arith.index_cast %add3A_63 : i32 to index
      %get3A_65 = tpu.vector_load %arg6[%get3A_64] {strides = array<i32>} : memref<10240xf32, #tpu.memory_space<vmem>>, vector<16xf32>,
      %add3A_66 = arith.addf %add3A_59, %get3A_65 : vector<16xf32>
      %mul3A_67 = arith.constant 16 : i32
      %mul3A_68 = arith.muli %scan3A_41, %mul3A_67 : i32
      %add3A_69 = arith.constant 2560 : i32
      %add3A_70 = arith.addi %add3A_69, %mul3A_68 : i32
      %get3A_71 = arith.index_cast %add3A_70 : i32 to index
      %get3A_72 = tpu.vector_load %arg6[%get3A_71] {strides = array<i32>} : memref<10240xf32, #tpu.memory_space<vmem>>, vector<16xf32>,
      %add3A_73 = arith.addf %add3A_66, %get3A_72 : vector<16xf32>
      %mul3A_74 = arith.constant 16 : i32
      %mul3A_75 = arith.muli %scan3A_41, %mul3A_74 : i32
      %add3A_76 = arith.constant 3200 : i32
      %add3A_77 = arith.addi %add3A_76, %mul3A_75 : i32
      %get3A_78 = arith.index_cast %add3A_77 : i32 to index
      %get3A_79 = tpu.vector_load %arg6[%get3A_78] {strides = array<i32>} : memref<10240xf32, #tpu.memory_space<vmem>>, vector<16xf32>,
      %add3A_80 = arith.addf %add3A_73, %get3A_79 : vector<16xf32>
      %mul3A_81 = arith.constant 16 : i32
      %mul3A_82 = arith.muli %scan3A_41, %mul3A_81 : i32
      %add3A_83 = arith.constant 3840 : i32
      %add3A_84 = arith.addi %add3A_83, %mul3A_82 : i32
      %get3A_85 = arith.index_cast %add3A_84 : i32 to index
      %get3A_86 = tpu.vector_load %arg6[%get3A_85] {strides = array<i32>} : memref<10240xf32, #tpu.memory_space<vmem>>, vector<16xf32>,
      %add3A_87 = arith.addf %add3A_80, %get3A_86 : vector<16xf32>
      %mul3A_88 = arith.constant 16 : i32
      %mul3A_89 = arith.muli %scan3A_41, %mul3A_88 : i32
      %add3A_90 = arith.constant 4480 : i32
      %add3A_91 = arith.addi %add3A_90, %mul3A_89 : i32
      %get3A_92 = arith.index_cast %add3A_91 : i32 to index
      %get3A_93 = tpu.vector_load %arg6[%get3A_92] {strides = array<i32>} : memref<10240xf32, #tpu.memory_space<vmem>>, vector<16xf32>,
      %add3A_94 = arith.addf %add3A_87, %get3A_93 : vector<16xf32>
      %mul3A_95 = arith.constant 16 : i32
      %mul3A_96 = arith.muli %scan3A_41, %mul3A_95 : i32
      %add3A_97 = arith.constant 5120 : i32
      %add3A_98 = arith.addi %add3A_97, %mul3A_96 : i32
      %get3A_99 = arith.index_cast %add3A_98 : i32 to index
      %get3A_100 = tpu.vector_load %arg6[%get3A_99] {strides = array<i32>} : memref<10240xf32, #tpu.memory_space<vmem>>, vector<16xf32>,
      %add3A_101 = arith.addf %add3A_94, %get3A_100 : vector<16xf32>
      %mul3A_102 = arith.constant 16 : i32
      %mul3A_103 = arith.muli %scan3A_41, %mul3A_102 : i32
      %add3A_104 = arith.constant 5760 : i32
      %add3A_105 = arith.addi %add3A_104, %mul3A_103 : i32
      %get3A_106 = arith.index_cast %add3A_105 : i32 to index
      %get3A_107 = tpu.vector_load %arg6[%get3A_106] {strides = array<i32>} : memref<10240xf32, #tpu.memory_space<vmem>>, vector<16xf32>,
      %add3A_108 = arith.addf %add3A_101, %get3A_107 : vector<16xf32>
      %mul3A_109 = arith.constant 16 : i32
      %mul3A_110 = arith.muli %scan3A_41, %mul3A_109 : i32
      %add3A_111 = arith.constant 6400 : i32
      %add3A_112 = arith.addi %add3A_111, %mul3A_110 : i32
      %get3A_113 = arith.index_cast %add3A_112 : i32 to index
      %get3A_114 = tpu.vector_load %arg6[%get3A_113] {strides = array<i32>} : memref<10240xf32, #tpu.memory_space<vmem>>, vector<16xf32>,
      %add3A_115 = arith.addf %add3A_108, %get3A_114 : vector<16xf32>
      %mul3A_116 = arith.constant 16 : i32
      %mul3A_117 = arith.muli %scan3A_41, %mul3A_116 : i32
      %add3A_118 = arith.constant 7040 : i32
      %add3A_119 = arith.addi %add3A_118, %mul3A_117 : i32
      %get3A_120 = arith.index_cast %add3A_119 : i32 to index
      %get3A_121 = tpu.vector_load %arg6[%get3A_120] {strides = array<i32>} : memref<10240xf32, #tpu.memory_space<vmem>>, vector<16xf32>,
      %add3A_122 = arith.addf %add3A_115, %get3A_121 : vector<16xf32>
      %mul3A_123 = arith.constant 16 : i32
      %mul3A_124 = arith.muli %scan3A_41, %mul3A_123 : i32
      %add3A_125 = arith.constant 7680 : i32
      %add3A_126 = arith.addi %add3A_125, %mul3A_124 : i32
      %get3A_127 = arith.index_cast %add3A_126 : i32 to index
      %get3A_128 = tpu.vector_load %arg6[%get3A_127] {strides = array<i32>} : memref<10240xf32, #tpu.memory_space<vmem>>, vector<16xf32>,
      %add3A_129 = arith.addf %add3A_122, %get3A_128 : vector<16xf32>
      %mul3A_130 = arith.constant 16 : i32
      %mul3A_131 = arith.muli %scan3A_41, %mul3A_130 : i32
      %add3A_132 = arith.constant 8320 : i32
      %add3A_133 = arith.addi %add3A_132, %mul3A_131 : i32
      %get3A_134 = arith.index_cast %add3A_133 : i32 to index
      %get3A_135 = tpu.vector_load %arg6[%get3A_134] {strides = array<i32>} : memref<10240xf32, #tpu.memory_space<vmem>>, vector<16xf32>,
      %add3A_136 = arith.addf %add3A_129, %get3A_135 : vector<16xf32>
      %mul3A_137 = arith.constant 16 : i32
      %mul3A_138 = arith.muli %scan3A_41, %mul3A_137 : i32
      %add3A_139 = arith.constant 8960 : i32
      %add3A_140 = arith.addi %add3A_139, %mul3A_138 : i32
      %get3A_141 = arith.index_cast %add3A_140 : i32 to index
      %get3A_142 = tpu.vector_load %arg6[%get3A_141] {strides = array<i32>} : memref<10240xf32, #tpu.memory_space<vmem>>, vector<16xf32>,
      %add3A_143 = arith.addf %add3A_136, %get3A_142 : vector<16xf32>
      %mul3A_144 = arith.constant 16 : i32
      %mul3A_145 = arith.muli %scan3A_41, %mul3A_144 : i32
      %add3A_146 = arith.constant 9600 : i32
      %add3A_147 = arith.addi %add3A_146, %mul3A_145 : i32
      %get3A_148 = arith.index_cast %add3A_147 : i32 to index
      %get3A_149 = tpu.vector_load %arg6[%get3A_148] {strides = array<i32>} : memref<10240xf32, #tpu.memory_space<vmem>>, vector<16xf32>,
      %add3A_150 = arith.addf %add3A_143, %get3A_149 : vector<16xf32>
      %mul3A_151 = arith.constant 16 : i32
      %mul3A_152 = arith.muli %scan3A_41, %mul3A_151 : i32
      %swap3A = arith.index_cast %mul3A_152 : i32 to index
      %swap3A_153 = tpu.vector_load %arg7[%swap3A] {strides = array<i32>} : memref<640xf32, #tpu.memory_space<vmem>>, vector<16xf32>,
      tpu.vector_store %arg7[%swap3A], %add3A_150 {strides = array<i32>} : memref<640xf32, #tpu.memory_space<vmem>>, vector<16xf32>,
    }
    %scan3A_40 = arith.constant 40 : i32
    %run_scoped3A = arith.constant 0 : i32
    "tpu.region"() ({
      %run_scoped3A_41 = tpu.sem_alloc : memref<!tpu.dma_semaphore, #tpu.memory_space<semaphore_mem>>
      %dma_start3A = tpu.memref_slice %arg3[%arg0, %run_scoped3A, %mul3A_28] : memref<2x8x10240xf32, #tpu.memory_space<hbm>> -> memref<1x1x640xf32, #tpu.memory_space<hbm>>
      %dma_start3A_42 = tpu.memref_squeeze %dma_start3A : memref<1x1x640xf32, #tpu.memory_space<hbm>> -> memref<640xf32, #tpu.memory_space<hbm>>
      %dma_start3A_43 = tpu.memref_slice %arg3[%arg0, %run_scoped3A, %mul3A_28] : memref<2x8x10240xf32, #tpu.memory_space<hbm>> -> memref<1x1x640xf32, #tpu.memory_space<hbm>>
      %dma_start3A_44 = tpu.memref_squeeze %dma_start3A_43 : memref<1x1x640xf32, #tpu.memory_space<hbm>> -> memref<640xf32, #tpu.memory_space<hbm>>
      tpu.enqueue_dma source(%arg7 : memref<640xf32, #tpu.memory_space<vmem>>) target(%dma_start3A_44 : memref<640xf32, #tpu.memory_space<hbm>>) target_semaphore(%run_scoped3A_41 : memref<!tpu.dma_semaphore, #tpu.memory_space<semaphore_mem>>)
      %dma_wait3A = tpu.memref_slice %arg3[%arg0, %run_scoped3A, %mul3A_28] : memref<2x8x10240xf32, #tpu.memory_space<hbm>> -> memref<1x1x640xf32, #tpu.memory_space<hbm>>
      %dma_wait3A_45 = tpu.memref_squeeze %dma_wait3A : memref<1x1x640xf32, #tpu.memory_space<hbm>> -> memref<640xf32, #tpu.memory_space<hbm>>
      %dma_wait3A_46 = tpu.memref_slice %arg3[%arg0, %run_scoped3A, %mul3A_28] : memref<2x8x10240xf32, #tpu.memory_space<hbm>> -> memref<1x1x640xf32, #tpu.memory_space<hbm>>
      %dma_wait3A_47 = tpu.memref_squeeze %dma_wait3A_46 : memref<1x1x640xf32, #tpu.memory_space<hbm>> -> memref<640xf32, #tpu.memory_space<hbm>>
      tpu.wait_dma2 semaphore(%run_scoped3A_41 : memref<!tpu.dma_semaphore, #tpu.memory_space<semaphore_mem>>) src(%arg7 : memref<640xf32, #tpu.memory_space<vmem>>) dst(%dma_wait3A_47 : memref<640xf32, #tpu.memory_space<hbm>>)
      tpu.yield
    }) : () -> ()
    return
  }
}

module attributes {stable_mosaic.version = 14 : i64} {
  func.func @body(%arg0: i32, %arg1: memref<2000x128xf32, #tpu.memory_space<vmem>>, %arg2: memref<2x2000x128xf32, #tpu.memory_space<vmem>>, %arg3: memref<2000x1xf32, #tpu.memory_space<vmem>>, %arg4: memref<128x128xf32, #tpu.memory_space<vmem>>, %arg5: memref<128x128xf32, #tpu.memory_space<vmem>>, %arg6: memref<1x128xf32, #tpu.memory_space<vmem>>, %arg7: memref<2000x128xf32, #tpu.memory_space<vmem>>) attributes {dimension_semantics = [#tpu.dimension_semantics<arbitrary>], iteration_bounds = array<i64: 5>, scalar_prefetch = 0 : i64, scratch_operands = 0 : i64, tpu.core_type = #tpu.core_type<tc>, window_params = [{transform_indices = @transform_0, window_bounds = array<i64: 2000, 128>}, {transform_indices = @transform_1, window_bounds = array<i64: 2, 2000, 128>}, {transform_indices = @transform_2, window_bounds = array<i64: 2000, 1>}, {pipeline_mode = #tpu.pipeline_mode<synchronous>, transform_indices = @transform_3, window_bounds = array<i64: 128, 128>}, {pipeline_mode = #tpu.pipeline_mode<synchronous>, transform_indices = @transform_4, window_bounds = array<i64: 128, 128>}, {pipeline_mode = #tpu.pipeline_mode<synchronous>, transform_indices = @transform_5, window_bounds = array<i64: 1, 128>}, {transform_indices = @transform_6, window_bounds = array<i64: 2000, 128>}]} {
    %get3A = arith.constant 0 : index
    %get3A_0 = arith.constant 0 : index
    %get3A_1 = arith.constant 0 : index
    %get3A_2 = vector.load %arg2[%get3A, %get3A_0, %get3A_1] : memref<2x2000x128xf32, #tpu.memory_space<vmem>>, vector<1x2000x128xf32>
    %get3A_3 = vector.shape_cast %get3A_2 : vector<1x2000x128xf32> to vector<2000x128xf32>
    %get3A_4 = arith.constant 1 : index
    %get3A_5 = arith.constant 0 : index
    %get3A_6 = arith.constant 0 : index
    %get3A_7 = vector.load %arg2[%get3A_4, %get3A_5, %get3A_6] : memref<2x2000x128xf32, #tpu.memory_space<vmem>>, vector<1x2000x128xf32>
    %get3A_8 = vector.shape_cast %get3A_7 : vector<1x2000x128xf32> to vector<2000x128xf32>
    %add3A = arith.addf %get3A_3, %get3A_8 : vector<2000x128xf32>
    %get3A_9 = arith.constant 0 : index
    %get3A_10 = arith.constant 0 : index
    %get3A_11 = vector.load %arg3[%get3A_9, %get3A_10] : memref<2000x1xf32, #tpu.memory_space<vmem>>, vector<2000x1xf32>
    %mul3A = vector.broadcast %get3A_11 : vector<2000x1xf32> to vector<2000x128xf32>
    %mul3A_12 = arith.mulf %add3A, %mul3A : vector<2000x128xf32>
    %get3A_13 = arith.constant 0 : index
    %get3A_14 = arith.constant 0 : index
    %get3A_15 = vector.load %arg1[%get3A_13, %get3A_14] : memref<2000x128xf32, #tpu.memory_space<vmem>>, vector<2000x128xf32>
    %get3A_16 = arith.constant 0 : index
    %get3A_17 = arith.constant 0 : index
    %get3A_18 = vector.load %arg4[%get3A_16, %get3A_17] : memref<128x128xf32, #tpu.memory_space<vmem>>, vector<128x128xf32>
    %dot_general3A = arith.constant dense<0.000000e+00> : vector<2000x128xf32>
    %dot_general3A_19 = tpu.matmul %get3A_15, %get3A_18, %dot_general3A {dimension_numbers = #tpu.dot_dimension_numbers<[1], [0], [0], [1], [0, 0, 1, 1], [], []>, transpose_lhs_hint = false} : vector<2000x128xf32>, vector<128x128xf32>, vector<2000x128xf32> -> vector<2000x128xf32>
    %get3A_20 = arith.constant 0 : index
    %get3A_21 = arith.constant 0 : index
    %get3A_22 = vector.load %arg5[%get3A_20, %get3A_21] : memref<128x128xf32, #tpu.memory_space<vmem>>, vector<128x128xf32>
    %dot_general3A_23 = arith.constant dense<0.000000e+00> : vector<2000x128xf32>
    %dot_general3A_24 = tpu.matmul %mul3A_12, %get3A_22, %dot_general3A_23 {dimension_numbers = #tpu.dot_dimension_numbers<[1], [0], [0], [1], [0, 0, 1, 1], [], []>, transpose_lhs_hint = false} : vector<2000x128xf32>, vector<128x128xf32>, vector<2000x128xf32> -> vector<2000x128xf32>
    %add3A_25 = arith.addf %dot_general3A_19, %dot_general3A_24 : vector<2000x128xf32>
    %get3A_26 = arith.constant 0 : index
    %get3A_27 = arith.constant 0 : index
    %get3A_28 = vector.load %arg6[%get3A_26, %get3A_27] : memref<1x128xf32, #tpu.memory_space<vmem>>, vector<1x128xf32>
    %add3A_29 = vector.broadcast %get3A_28 : vector<1x128xf32> to vector<2000x128xf32>
    %add3A_30 = arith.addf %add3A_25, %add3A_29 : vector<2000x128xf32>
    %max3A = arith.constant 0.000000e+00 : f32
    %max3A_31 = vector.broadcast %max3A : f32 to vector<2000x128xf32>
    %max3A_32 = arith.maximumf %add3A_30, %max3A_31 : vector<2000x128xf32>
    %swap3A = arith.constant 0 : index
    %swap3A_33 = arith.constant 0 : index
    %swap3A_34 = vector.load %arg7[%swap3A, %swap3A_33] : memref<2000x128xf32, #tpu.memory_space<vmem>>, vector<2000x128xf32>
    tpu.vector_store %arg7[%swap3A, %swap3A_33], %max3A_32 {strides = array<i32>} : memref<2000x128xf32, #tpu.memory_space<vmem>>, vector<2000x128xf32>,
    return
  }
  func.func @transform_0(%arg0: i32) -> (i32, i32) {
    %c0_i32 = arith.constant 0 : i32
    %c0_i32_0 = arith.constant 0 : i32
    return %arg0, %c0_i32 : i32, i32
  }
  func.func @transform_1(%arg0: i32) -> (i32, i32, i32) {
    %c0_i32 = arith.constant 0 : i32
    %c0_i32_0 = arith.constant 0 : i32
    %c0_i32_1 = arith.constant 0 : i32
    return %c0_i32, %arg0, %c0_i32_0 : i32, i32, i32
  }
  func.func @transform_2(%arg0: i32) -> (i32, i32) {
    %c0_i32 = arith.constant 0 : i32
    %c0_i32_0 = arith.constant 0 : i32
    return %arg0, %c0_i32 : i32, i32
  }
  func.func @transform_3(%arg0: i32) -> (i32, i32) {
    %c0_i32 = arith.constant 0 : i32
    %c0_i32_0 = arith.constant 0 : i32
    %c0_i32_1 = arith.constant 0 : i32
    return %c0_i32, %c0_i32_0 : i32, i32
  }
  func.func @transform_4(%arg0: i32) -> (i32, i32) {
    %c0_i32 = arith.constant 0 : i32
    %c0_i32_0 = arith.constant 0 : i32
    %c0_i32_1 = arith.constant 0 : i32
    return %c0_i32, %c0_i32_0 : i32, i32
  }
  func.func @transform_5(%arg0: i32) -> (i32, i32) {
    %c0_i32 = arith.constant 0 : i32
    %c0_i32_0 = arith.constant 0 : i32
    %c0_i32_1 = arith.constant 0 : i32
    return %c0_i32, %c0_i32_0 : i32, i32
  }
  func.func @transform_6(%arg0: i32) -> (i32, i32) {
    %c0_i32 = arith.constant 0 : i32
    %c0_i32_0 = arith.constant 0 : i32
    return %arg0, %c0_i32 : i32, i32
  }
}

module attributes {stable_mosaic.version = 14 : i64} {
  func.func @body(%arg0: i32, %arg1: memref<2000x128xf32, #tpu.memory_space<vmem>>, %arg2: memref<2x2000x128xf32, #tpu.memory_space<vmem>>, %arg3: memref<2000x1xf32, #tpu.memory_space<vmem>>, %arg4: memref<128x128xf32, #tpu.memory_space<vmem>>, %arg5: memref<128x128xf32, #tpu.memory_space<vmem>>, %arg6: memref<1x128xf32, #tpu.memory_space<vmem>>, %arg7: memref<2000x128xf32, #tpu.memory_space<vmem>>) attributes {dimension_semantics = [#tpu.dimension_semantics<arbitrary>], iteration_bounds = array<i64: 5>, scalar_prefetch = 0 : i64, scratch_operands = 0 : i64, tpu.core_type = #tpu.core_type<tc>, window_params = [{transform_indices = @transform_0, window_bounds = array<i64: 2000, 128>}, {transform_indices = @transform_1, window_bounds = array<i64: 2, 2000, 128>}, {transform_indices = @transform_2, window_bounds = array<i64: 2000, 1>}, {pipeline_mode = #tpu.pipeline_mode<synchronous>, transform_indices = @transform_3, window_bounds = array<i64: 128, 128>}, {pipeline_mode = #tpu.pipeline_mode<synchronous>, transform_indices = @transform_4, window_bounds = array<i64: 128, 128>}, {pipeline_mode = #tpu.pipeline_mode<synchronous>, transform_indices = @transform_5, window_bounds = array<i64: 1, 128>}, {transform_indices = @transform_6, window_bounds = array<i64: 2000, 128>}]} {
    %get3A = arith.constant 0 : index
    %get3A_0 = arith.constant 0 : index
    %get3A_1 = arith.constant 0 : index
    %get3A_2 = vector.load %arg2[%get3A, %get3A_0, %get3A_1] : memref<2x2000x128xf32, #tpu.memory_space<vmem>>, vector<1x2000x128xf32>
    %get3A_3 = vector.shape_cast %get3A_2 : vector<1x2000x128xf32> to vector<2000x128xf32>
    %get3A_4 = arith.constant 1 : index
    %get3A_5 = arith.constant 0 : index
    %get3A_6 = arith.constant 0 : index
    %get3A_7 = vector.load %arg2[%get3A_4, %get3A_5, %get3A_6] : memref<2x2000x128xf32, #tpu.memory_space<vmem>>, vector<1x2000x128xf32>
    %get3A_8 = vector.shape_cast %get3A_7 : vector<1x2000x128xf32> to vector<2000x128xf32>
    %add3A = arith.addf %get3A_3, %get3A_8 : vector<2000x128xf32>
    %get3A_9 = arith.constant 0 : index
    %get3A_10 = arith.constant 0 : index
    %get3A_11 = vector.load %arg3[%get3A_9, %get3A_10] : memref<2000x1xf32, #tpu.memory_space<vmem>>, vector<2000x1xf32>
    %mul3A = vector.broadcast %get3A_11 : vector<2000x1xf32> to vector<2000x128xf32>
    %mul3A_12 = arith.mulf %add3A, %mul3A : vector<2000x128xf32>
    %get3A_13 = arith.constant 0 : index
    %get3A_14 = arith.constant 0 : index
    %get3A_15 = vector.load %arg1[%get3A_13, %get3A_14] : memref<2000x128xf32, #tpu.memory_space<vmem>>, vector<2000x128xf32>
    %get3A_16 = arith.constant 0 : index
    %get3A_17 = arith.constant 0 : index
    %get3A_18 = vector.load %arg4[%get3A_16, %get3A_17] : memref<128x128xf32, #tpu.memory_space<vmem>>, vector<128x128xf32>
    %dot_general3A = arith.constant dense<0.000000e+00> : vector<2000x128xf32>
    %dot_general3A_19 = tpu.matmul %get3A_15, %get3A_18, %dot_general3A {dimension_numbers = #tpu.dot_dimension_numbers<[1], [0], [0], [1], [0, 0, 1, 1], [], []>, transpose_lhs_hint = false} : vector<2000x128xf32>, vector<128x128xf32>, vector<2000x128xf32> -> vector<2000x128xf32>
    %get3A_20 = arith.constant 0 : index
    %get3A_21 = arith.constant 0 : index
    %get3A_22 = vector.load %arg5[%get3A_20, %get3A_21] : memref<128x128xf32, #tpu.memory_space<vmem>>, vector<128x128xf32>
    %dot_general3A_23 = arith.constant dense<0.000000e+00> : vector<2000x128xf32>
    %dot_general3A_24 = tpu.matmul %mul3A_12, %get3A_22, %dot_general3A_23 {dimension_numbers = #tpu.dot_dimension_numbers<[1], [0], [0], [1], [0, 0, 1, 1], [], []>, transpose_lhs_hint = false} : vector<2000x128xf32>, vector<128x128xf32>, vector<2000x128xf32> -> vector<2000x128xf32>
    %add3A_25 = arith.addf %dot_general3A_19, %dot_general3A_24 : vector<2000x128xf32>
    %get3A_26 = arith.constant 0 : index
    %get3A_27 = arith.constant 0 : index
    %get3A_28 = vector.load %arg6[%get3A_26, %get3A_27] : memref<1x128xf32, #tpu.memory_space<vmem>>, vector<1x128xf32>
    %add3A_29 = vector.broadcast %get3A_28 : vector<1x128xf32> to vector<2000x128xf32>
    %add3A_30 = arith.addf %add3A_25, %add3A_29 : vector<2000x128xf32>
    %swap3A = arith.constant 0 : index
    %swap3A_31 = arith.constant 0 : index
    %swap3A_32 = vector.load %arg7[%swap3A, %swap3A_31] : memref<2000x128xf32, #tpu.memory_space<vmem>>, vector<2000x128xf32>
    tpu.vector_store %arg7[%swap3A, %swap3A_31], %add3A_30 {strides = array<i32>} : memref<2000x128xf32, #tpu.memory_space<vmem>>, vector<2000x128xf32>,
    return
  }
  func.func @transform_0(%arg0: i32) -> (i32, i32) {
    %c0_i32 = arith.constant 0 : i32
    %c0_i32_0 = arith.constant 0 : i32
    return %arg0, %c0_i32 : i32, i32
  }
  func.func @transform_1(%arg0: i32) -> (i32, i32, i32) {
    %c0_i32 = arith.constant 0 : i32
    %c0_i32_0 = arith.constant 0 : i32
    %c0_i32_1 = arith.constant 0 : i32
    return %c0_i32, %arg0, %c0_i32_0 : i32, i32, i32
  }
  func.func @transform_2(%arg0: i32) -> (i32, i32) {
    %c0_i32 = arith.constant 0 : i32
    %c0_i32_0 = arith.constant 0 : i32
    return %arg0, %c0_i32 : i32, i32
  }
  func.func @transform_3(%arg0: i32) -> (i32, i32) {
    %c0_i32 = arith.constant 0 : i32
    %c0_i32_0 = arith.constant 0 : i32
    %c0_i32_1 = arith.constant 0 : i32
    return %c0_i32, %c0_i32_0 : i32, i32
  }
  func.func @transform_4(%arg0: i32) -> (i32, i32) {
    %c0_i32 = arith.constant 0 : i32
    %c0_i32_0 = arith.constant 0 : i32
    %c0_i32_1 = arith.constant 0 : i32
    return %c0_i32, %c0_i32_0 : i32, i32
  }
  func.func @transform_5(%arg0: i32) -> (i32, i32) {
    %c0_i32 = arith.constant 0 : i32
    %c0_i32_0 = arith.constant 0 : i32
    %c0_i32_1 = arith.constant 0 : i32
    return %c0_i32, %c0_i32_0 : i32, i32
  }
  func.func @transform_6(%arg0: i32) -> (i32, i32) {
    %c0_i32 = arith.constant 0 : i32
    %c0_i32_0 = arith.constant 0 : i32
    return %arg0, %c0_i32 : i32, i32
  }
}

</mosaic_0001>

<sc_bundles>
// kernel: _impl.10.cloned.1.call-start
scs
__scs_entry_jumppad:
0x0: {  	(pc) =	sbr.rel $0x88, $3  }
0x1: {  	(tag) =	ssettag $0x0;
	lr =	simm.s32 $0x1  }
0x2: {  	[smem:$0x3F98] =	sst lr;
	_ =	strace $0xD0000000  }
0x3: {  	_ = 	snop  }
0x4: {  	_ = 	snop  }
0x5: {  	_ = 	snop  }
0x6: {  	_ = 	snop  }
0x7: {  	_ = 	snop  }
__scs_overlays_trampoline_lowered:
0x8: {  	[smem:$0x3FA7] =	sst s0  }
0x9: {  	[smem:$0x3FA8] =	sst s1  }
0xa: {  	[smem:$0x3FA9] =	sst s2  }
0xb: {  	[smem:$0x3FAA] =	sst s3  }
0xc: {  	[smem:$0x3FAB] =	sst s4  }
0xd: {  	[smem:$0x3FAC] =	sst s5  }
0xe: {  	[smem:$0x3FAD] =	sst s6  }
0xf: {  	[smem:$0x3FAE] =	sst s7  }
0x10: {  	[smem:$0x3FAF] =	sst s8  }
0x11: {  	[smem:$0x3FB0] =	sst s9;
	s0 =	simm.s32 @!p0 $0x0  }
0x12: {  	s1 =	sld [smem:$0x3F96];
	s0 =	simm.s32 @p0 $0x1  }
0x13: {  	[smem:$0x3FB1] =	sst s0;
	s0 =	simm.s32 @!p1 $0x0  }
0x14: {  	s2 =	sld [smem:$0x3F95];
	s0 =	simm.s32 @p1 $0x1  }
0x15: {  	[smem:$0x3FB2] =	sst s0;
	s0 =	simm.s32 @!p2 $0x0  }
0x16: {  	s3 =	sld [smem:$0x3FDB];
	s0 =	simm.s32 @p2 $0x1  }
0x17: {  	s4 =	simm.s32 $0x1BF5;
	[smem:$0x3FB4] =	sst s0  }
0x18: {  	s0 =	sld [smem:$0x3F97];
	_ =	swait.ge [sflag:s4], $0x0  }
0x19: {  	s7 =	sld [smem:$0x3F98]  }
0x1a: {  	s8 =	sadd.s32 $0xFFFFE003, lr  }
0x1b: {  	s9 =	sadd.s32 $0xFFFFFEF7, lr;
	s5 =	simm.s32 $0xFFFFFFFF;
	p2 =	slt.u32 s8, $0xFFFFF086  }
0x1c: {  	p1 =	slt.u32 s9, $0xF7A;
	s5 =	simm.s32 @!p2 $0x0  }
0x1d: {  	s5 =	simm.s32 @p1 $0x1;
	p0 =	seq.s32 s7, s2  }
0x1e: {  	s7 =	smul.u32 @!p0 $0xF7A, s2;
	p2 =	seq.s32 @!p0 s5, $0x0  }
0x1f: {  	s9 =	smul.u32 $0xF7A, s1;
	s8 =	simm.s32 @!p0 $0x1BF5;
	p2 =	por !p2, p0  }
0x20: {  	[sflag:s8] =	ssyncset.s32 @!p0 $0xFFFFF086;
	s6 =	sadd.s32 @!p0 s3, s7;
	s7 =	simm.s32 @!p0 $0x108  }
0x21: {  	s3 =	sadd.s32 s3, s9;
	s6 =	sadd.s32 @!p0 $0x88, s6;
	s7 =	simm.s32 @p2 $0x1082  }
0x22: {  	[simem:s7], [sflag:s8] =	dma.local @!p0 [hbm:s6], $0xF7A  }
0x23: {  	s9 =	sor.u32 $0xD0000000, s2;
	s6 =	simm.s32 $0x108;
	_ =	swait.ge @!p0 [sflag:s8], $0x0  }
0x24: {  	s3 =	sadd.s32 $0x88, s3;
	s6 =	simm.s32 @!p1 $0x1082;
	[sflag:s4] =	ssyncset.s32 $0xFFFFF086  }
0x25: {  	[simem:s6], [sflag:s4] =	dma.local [hbm:s3], $0xF7A  }
0x26: {  	[smem:$0x3F98] =	sst s1;
	(tag) =	ssettag s2;
	_ =	strace s9  }
0x27: {  	s1 =	sld [smem:$0x3FA8]  }
0x28: {  	s2 =	sld [smem:$0x3FA9]  }
0x29: {  	s4 =	sld [smem:$0x3FAB]  }
0x2a: {  	p0 =	seq.s32 s5, $0x0;
	s5 =	sld [smem:$0x3FAC]  }
0x2b: {  	s6 =	sld [smem:$0x3FAD]  }
0x2c: {  	s7 =	sld [smem:$0x3FAE]  }
0x2d: {  	s3 =	simm.s32 $0x108;
	s8 =	sld [smem:$0x3FAF]  }
0x2e: {  	s3 =	simm.s32 @!p0 $0x1082;
	s9 =	sld [smem:$0x3FB0]  }
0x2f: {  	lr =	sadd.s32 s0, s3;
	s0 =	sld [smem:$0x3FA7]  }
0x30: {  	s3 =	sld [smem:$0x3FAA]  }
0x31: {  	[smem:$0x3FB3] =	sst s10  }
0x32: {  	s10 =	sld [smem:$0x3FB1];
	_ =	sdelay $0x3  }
0x33: {  	p0 =	seq.s32 s10, $0x1;
	s10 =	sld [smem:$0x3FB3];
	_ =	sdelay $0x3  }
0x34: {  	[smem:$0x3FB3] =	sst s10  }
0x35: {  	s10 =	sld [smem:$0x3FB2];
	_ =	sdelay $0x3  }
0x36: {  	p1 =	seq.s32 s10, $0x1;
	s10 =	sld [smem:$0x3FB3];
	_ =	sdelay $0x3  }
0x37: {  	[smem:$0x3FB3] =	sst s10  }
0x38: {  	s10 =	sld [smem:$0x3FB4]  }
0x39: {  	_ = 	snop;
	(pc) =	sbr.ind lr, $3  }
0x3a: {  	_ = 	snop  }
0x3b: {  	_ = 	snop  }
0x3c: {  	p2 =	seq.s32 s10, $0x1;
	s10 =	sld [smem:$0x3FB3]  }
0x3d: {  	_ =	shalt  }
0x3e: {  	_ =	shalt  }
0x3f: {  	_ =	shalt  }
0x40: {  	_ =	shalt  }
0x41: {  	_ =	shalt  }
0x42: {  	_ =	shalt  }
0x43: {  	_ =	shalt  }
0x44: {  	_ =	shalt  }
0x45: {  	_ =	shalt  }
0x46: {  	_ =	shalt  }
0x47: {  	_ =	shalt  }
0x48: {  	_ =	shalt  }
0x49: {  	_ =	shalt  }
0x4a: {  	_ =	shalt  }
0x4b: {  	_ =	shalt  }
0x4c: {  	_ =	shalt  }
0x4d: {  	_ =	shalt  }
0x4e: {  	_ =	shalt  }
0x4f: {  	_ =	shalt  }
0x50: {  	_ =	shalt  }
0x51: {  	_ =	shalt  }
0x52: {  	_ =	shalt  }
0x53: {  	_ =	shalt  }
0x54: {  	_ =	shalt  }
0x55: {  	_ =	shalt  }
0x56: {  	_ =	shalt  }
0x57: {  	_ =	shalt  }
0x58: {  	_ =	shalt  }
0x59: {  	_ =	shalt  }
0x5a: {  	_ =	shalt  }
0x5b: {  	_ =	shalt  }
0x5c: {  	_ =	shalt  }
0x5d: {  	_ =	shalt  }
0x5e: {  	_ =	shalt  }
0x5f: {  	_ =	shalt  }
0x60: {  	_ =	shalt  }
0x61: {  	_ =	shalt  }
0x62: {  	_ =	shalt  }
0x63: {  	_ =	shalt  }
0x64: {  	_ =	shalt  }
0x65: {  	_ =	shalt  }
0x66: {  	_ =	shalt  }
0x67: {  	_ =	shalt  }
0x68: {  	_ =	shalt  }
0x69: {  	_ =	shalt  }
0x6a: {  	_ =	shalt  }
0x6b: {  	_ =	shalt  }
0x6c: {  	_ =	shalt  }
0x6d: {  	_ =	shalt  }
0x6e: {  	_ =	shalt  }
0x6f: {  	_ =	shalt  }
0x70: {  	_ =	shalt  }
0x71: {  	_ =	shalt  }
0x72: {  	_ =	shalt  }
0x73: {  	_ =	shalt  }
0x74: {  	_ =	shalt  }
0x75: {  	_ =	shalt  }
0x76: {  	_ =	shalt  }
0x77: {  	_ =	shalt  }
0x78: {  	_ =	shalt  }
0x79: {  	_ =	shalt  }
0x7a: {  	_ =	shalt  }
0x7b: {  	_ =	shalt  }
0x7c: {  	_ =	shalt  }
0x7d: {  	_ =	shalt  }
0x7e: {  	_ =	shalt  }
0x7f: {  	_ =	shalt  }
0x80: {  	_ =	shalt  }
0x81: {  	_ =	shalt  }
0x82: {  	_ =	shalt  }
0x83: {  	_ =	shalt  }
0x84: {  	_ =	shalt  }
0x85: {  	_ =	shalt  }
0x86: {  	_ =	shalt  }
0x87: {  	_ =	shalt  }
.Lfunc_end0:
.L_simem_size_0:
called_computation.1_lowered:
.L_overlay_start_0:
0x88: {  	s2 =	sld [smem:$0x3FD9]  }
0x89: {  	s3 =	sld [smem:$0x3FFE];
	_ =	sdelay $0x1  }
0x8a: {  	s1 =	srdreg.scid  }
0x8b: {  	s0 =	sand.u32 $0x1, s1  }
0x8c: {  	s18 =	sshll.u32 s0, $0xA;
	s2 =	sadd.s32 s3, s2  }
0x8d: {  	s2 =	sadd.s32 s2, s18  }
0x8e: {  	[smem:$0x3FBF] =	sst s2  }
0x8f: {  	_ = 	snop  }
0x90: {  	s2 =	sld [smem:$0x3FC7]  }
0x91: {  	s19 =	sld [smem:$0x3FD0];
	(tm) =	ssettm $0x1  }
0x92: {  	s4 =	sld [smem:$0x3FFB];
	_ =	sdelay $0x3  }
0x93: {  	_ =	strace s4  }
0x94: {  	s4 =	sld [smem:$0x3FFC];
	_ =	sdelay $0x3  }
0x95: {  	_ =	strace s4  }
0x96: {  	s4 =	sld [smem:$0x3FFD];
	_ =	sdelay $0x3  }
0x97: {  	_ =	strace s4  }
0x98: {  	_ =	strace $0x8FFFFFFF  }
0x99: {  	s20 =	sld [smem:$0x3FDB];
	_ =	sdelay $0x1  }
0x9a: {  	s5 =	simm.s32 $_scs_section_size  }
0x9b: {  	s6 =	simm.s32 $_size__tile_overlayer_lowered;
	s7 =	simm.s32 $_tile_overlayer_lowered  }
0x9c: {  	s23 =	simm.s32 $0x1BFF;
	s22 =	sshll.u32 s7, $0x1;
	s4 =	sadd.s32 s5, s20  }
0x9d: {  	s8 =	simm.s32 $0x0;
	s21 =	sshll.u32 s6, $0x1;
	s6 =	sadd.s32 s22, s4  }
0x9e: {  	[timem:s8], [sflag:s23] =	dma.local [hbm:s6], s21  }
0x9f: {  	_ =	swait.ge [sflag:s23], s21  }
0xa0: {  	s5 =	ssub.s32 $0x0, s21;
	[sflag:s23] =	ssyncset.done $0x0  }
0xa1: {  	[sflag:s23] =	ssyncadd.s32 s5;
	_ =	sdelay $0x1  }
0xa2: {  	s24 =	simm.s32 $0x1B8B  }
0xa3: {  	_ =	swait.ge [sflag:s24], $0x1  }
0xa4: {  	[sflag:s24] =	ssyncset.done $0x0  }
0xa5: {  	s25 =	simm.s32 $0x1B8E;
	[sflag:s24] =	ssyncadd.s32 $0xFFFFFFFF  }
0xa6: {  	s26 =	simm.s32 $execute0_lowered;
	[smem:$0x3FD2] =	sst s25  }
0xa7: {  	s5 =	sshll.u32 s26, $0x1;
	_ =	strace $0x80000046;
	[dreg:$0x1] =	wrdreg $0xFFFFFFFF  }
0xa8: {  	s28 =	simm.s32 $_size_execute0_lowered;
	s4 =	sadd.s32 s4, s5;
	[dreg:$0x0] =	wrdreg $0x0  }
0xa9: {  	s5 =	sshll.u32 s28, $0x1;
	[dreg:$0x2] =	wrdreg s4  }
0xaa: {  	[dreg:$0x3] =	wrdreg s5  }
0xab: {  	[dreg:$0x4] =	wrdreg $0xC0  }
0xac: {  	_ =	task [dreg:s8], $0x5FFFF  }
0xad: {  	[dreg:$0x1] =	wrdreg $0xFFFFFFFF  }
0xae: {  	[dreg:$0x0] =	wrdreg $0x60  }
0xaf: {  	[dreg:$0x2] =	wrdreg s2  }
0xb0: {  	[dreg:$0x3] =	wrdreg s19  }
0xb1: {  	[dreg:$0x4] =	wrdreg $0x7A000  }
0xb2: {  	[dreg:$0x5] =	wrdreg $0xA  }
0xb3: {  	_ =	task.clear_ibuf [dreg:s8], $0x6FFFF;
	_ =	strace $0x90000046  }
0xb4: {  	s29 =	simm.s32 $0xA;
	_ =	strace $0x80000048  }
0xb5: {  	_ =	swait.ge [sflag:s29], $0x1  }
0xb6: {  	[sflag:s29] =	ssyncadd.s32 $0xFFFFFFFF  }
0xb7: {  	_ =	strace $0x90000048  }
0xb8: {  	_ =	sfence  }
0xb9: {  	s30 =	sld [smem:$0x0];
	_ =	sdelay $0x2  }
0xba: {  	s31 =	sshll.u32 s1, $0xD;
	s1 =	sshrl.u32 s1, $0x2  }
0xbb: {  	s3 =	sand.u32 $0x4000, s31;
	s1 =	sadd.s32 s1, s30  }
0xbc: {  	s0 =	sor.u32 s3, s0;
	s1 =	sshll.u32 s1, $0x11  }
0xbd: {  	s0 =	sor.u32 s1, s0  }
0xbe: {  	s0 =	sadd.s32 $0x8F2B, s0  }
0xbf: {  	[sflag:s0] =	ssyncadd.remote.s32 $0x1  }
0xc0: {  	_ =	sfence.sel $0xFFFF  }
0xc1: {  	[dreg:$0x0] =	wrdreg $0xFFFFFFFF;
	(pc) =	sbr.abs _section_cstart, $3  }
0xc2: {  	[dreg:$0x1] =	wrdreg $0xFFFFFFFF  }
0xc3: {  	_ =	task.clear_ibuf [dreg:s8], $0x2FFFF;
	_ =	strace $0x9FFFFFFF  }
0xc4: {  	(tm) =	ssettm $0x7FFFFFFF  }
0xc5: {  	_ =	shalt  }
tec
execute0_lowered:
.L_overlay_start_1:
0x0: {  	(tag) =	ssettag $0x1  }
0x1: {  	s1 =	rddreg [dreg:$0x0]  }
0x2: {  	s0 =	srdreg.scid;
	s6 =	rddreg [dreg:$0x1]  }
0x3: {  	s9 =	stileid.u32;
	s5 =	rddreg [dreg:$0x2]  }
0x4: {  	s7 =	simm.s32 $0x0;
	s23 =	simm.s32 $0x1;
	s24 =	simm.s32 $0x2780  }
0x5: {  	s31 =	simm.s32 $0x7500;
	s25 =	simm.s32 $0x0;
	s4 =	smul.u32 $0xA000, s9  }
0x6: {  	s0 =	sand.u32 $0x1, s0;
	s2 =	sshll.u32 s9, $0x1;
	s8 =	smul.u32 $0x1400, s9  }
0x7: {  	[smem:$0x7FF] =	sst s7;
	s9 =	smul.u32 $0xA00, s9;
	s2 =	sor.u32 s0, s2  }
0x8: {  	s3 =	ssub.s32 $0x2, s0;
	s0 =	smul.u32 $0x14000, s0;
	_ =	strace $0x80000047  }
0x9: {  	s2 =	smul.u32 $0x4E2, s2;
	s28 =	sshrl.u32 s3, $0x1;
	s29 =	sshrl.u32 s4, $0x2  }
0xa: {  	s30 =	sshrl.u32 s9, $0x2;
	s7 =	ssub.s32 s3, s28;
	s0 =	sadd.s32 s8, s0  }
0xb: {  	s4 =	sadd.s32 s29, s5;
	s5 =	sadd.s32 s30, s5;
	s3 =	sadd.s32 s1, s2  }
0xc: {  	s0 =	sshrl.u32 s0, $0x3;
	s7 =	smax.u32 s7, $0x1;
	s8 =	sadd.s32 $0x2800, s5  }
0xd: {  	s9 =	sadd.s32 $0x5000, s5;
	s10 =	sadd.s32 $0x7800, s5;
	s11 =	sadd.s32 $0xA000, s5  }
0xe: {  	s12 =	sadd.s32 $0xC800, s5;
	s13 =	sadd.s32 $0xF000, s5;
	s14 =	sadd.s32 $0x11800, s5  }
0xf: {  	s15 =	sadd.s32 $0x14000, s5;
	s16 =	sadd.s32 $0x16800, s5;
	s17 =	sadd.s32 $0x19000, s5  }
0x10: {  	s18 =	sadd.s32 $0x1B800, s5;
	s19 =	sadd.s32 $0x1E000, s5;
	s20 =	sadd.s32 $0x20800, s5  }
0x11: {  	s21 =	sadd.s32 $0x23000, s5;
	s22 =	sadd.s32 $0x25800, s5;
	s1 =	simm.s32 $0x80  }
0x12: {  	v0 =	vimm.f32 $0.0e+00;
	v1 =	vimm.f32 $1.000000000e+00;
	s2 =	simm.s32 $0x7780;
	s6 =	sadd.s32 s6, s0;
	s0 =	simm.s32 $0x400  }
.LBB2_1:
0x13: {  	s26 =	simm.s32 $0x0  }
0x14: {  	[tilespmem:s26], [sflag:$0x1] =	stream.linear.gather [hbm4b:s3+s26], $0x2710, $0x38;
	[tilespmem:$0xA200] =	vst v63  }
0x15: {  	_ =	swait.ge [sflag:s23], $0x2710  }
0x16: {  	[sflag:s23] =	ssyncset.done $0x0  }
0x17: {  	s26 =	simm.s32 $0x0;
	[sflag:s23] =	ssyncadd.s32 $0xFFFFD8F0  }
.LBB2_2:
0x18: {  	p0 =	sne.s32 s26, $0x9FC0  }
.Ltmp0:
0x19: {  	_ = 	snop;
	(pc) =	sbr.rel @p0 .LBB2_2-.Ltmp0, $3  }
0x1a: {  	_ =	sdelay $0x1  }
0x1b: {  	s28 =	sshra.s32 s26, $0x2  }
0x1c: {  	s26 =	sadd.s32 $0x40, s26;
	[tilespmem:s28+$0x2780] =	vst v0  }
0x1d: {  	s26 =	simm.s32 $0x0  }
.LBB2_4:
0x1e: {  	s28 =	sshra.s32 s26, $0x2  }
0x1f: {  	v2 =	vld [tilespmem:s28+$0x0];
	_ =	sdelay $0x7  }
0x20: {  	[tilespmem:v2+s24+$0x0] =	vst.idx.add.f32.msk $0xffff, v1  }
0x21: {  	v2 =	vld [tilespmem:s28+$0x10];
	_ =	sdelay $0x7  }
0x22: {  	[tilespmem:v2+s24+$0x0] =	vst.idx.add.f32.msk $0xffff, v1  }
0x23: {  	v2 =	vld [tilespmem:s28+$0x20];
	_ =	sdelay $0x7  }
0x24: {  	[tilespmem:v2+s24+$0x0] =	vst.idx.add.f32.msk $0xffff, v1  }
0x25: {  	v2 =	vld [tilespmem:s28+$0x30];
	_ =	sdelay $0x7  }
0x26: {  	[tilespmem:v2+s24+$0x0] =	vst.idx.add.f32.msk $0xffff, v1  }
0x27: {  	v2 =	vld [tilespmem:s28+$0x40];
	_ =	sdelay $0x7  }
0x28: {  	[tilespmem:v2+s24+$0x0] =	vst.idx.add.f32.msk $0xffff, v1  }
0x29: {  	v2 =	vld [tilespmem:s28+$0x50];
	_ =	sdelay $0x7  }
0x2a: {  	[tilespmem:v2+s24+$0x0] =	vst.idx.add.f32.msk $0xffff, v1  }
0x2b: {  	v2 =	vld [tilespmem:s28+$0x60];
	_ =	sdelay $0x7  }
0x2c: {  	[tilespmem:v2+s24+$0x0] =	vst.idx.add.f32.msk $0xffff, v1  }
0x2d: {  	v2 =	vld [tilespmem:s28+$0x70];
	_ =	sdelay $0x2  }
0x2e: {  	p0 =	sne.s32 s26, $0x9A00  }
.Ltmp1:
0x2f: {  	_ = 	snop;
	(pc) =	sbr.rel @p0 .LBB2_4-.Ltmp1, $2  }
0x30: {  	_ =	sdelay $0x2  }
0x31: {  	s26 =	sadd.s32 $0x200, s26;
	[tilespmem:v2+s24+$0x0] =	vst.idx.add.f32.msk $0xffff, v1  }
0x32: {  	v2 =	vld [tilespmem:$0x2700];
	_ =	sdelay $0x7  }
0x33: {  	[tilespmem:v2+s24+$0x0] =	vst.idx.add.f32.msk $0xffff, v1  }
0x34: {  	[spmem:s4] =	stream.linear.scatter [tilespmem:s24], [sflag:$0x1], $0x2800, $0x38;
	[tilespmem:$0xA200] =	vst v63  }
0x35: {  	_ =	swait.ge [sflag:s23], $0x2800  }
0x36: {  	[sflag:s23] =	ssyncset.done $0x0  }
0x37: {  	[sflag:s23] =	ssyncadd.s32 $0xFFFFD800  }
0x38: {  	s26 =	simm.s32 $0x4F80;
	[bflag:$0x0] =	sbarrier.arrive $0xFFFF  }
0x39: {  	[tilespmem:s26], [sflag:$0x1] =	stream.linear.gather [spmem:s5], $0x280, $0x38;
	[tilespmem:$0xA200] =	vst v63  }
0x3a: {  	_ =	swait.ge [sflag:s23], $0x280  }
0x3b: {  	[sflag:s23] =	ssyncset.done $0x0  }
0x3c: {  	s28 =	simm.s32 $0x5200;
	[sflag:s23] =	ssyncadd.s32 $0xFFFFFD80  }
0x3d: {  	[tilespmem:s28], [sflag:$0x1] =	stream.linear.gather [spmem:s8], $0x280, $0x38;
	[tilespmem:$0xA200] =	vst v63  }
0x3e: {  	_ =	swait.ge [sflag:s23], $0x280  }
0x3f: {  	[sflag:s23] =	ssyncset.done $0x0  }
0x40: {  	s28 =	simm.s32 $0x5480;
	[sflag:s23] =	ssyncadd.s32 $0xFFFFFD80  }
0x41: {  	[tilespmem:s28], [sflag:$0x1] =	stream.linear.gather [spmem:s9], $0x280, $0x38;
	[tilespmem:$0xA200] =	vst v63  }
0x42: {  	_ =	swait.ge [sflag:s23], $0x280  }
0x43: {  	[sflag:s23] =	ssyncset.done $0x0  }
0x44: {  	s28 =	simm.s32 $0x5700;
	[sflag:s23] =	ssyncadd.s32 $0xFFFFFD80  }
0x45: {  	[tilespmem:s28], [sflag:$0x1] =	stream.linear.gather [spmem:s10], $0x280, $0x38;
	[tilespmem:$0xA200] =	vst v63  }
0x46: {  	_ =	swait.ge [sflag:s23], $0x280  }
0x47: {  	[sflag:s23] =	ssyncset.done $0x0  }
0x48: {  	s28 =	simm.s32 $0x5980;
	[sflag:s23] =	ssyncadd.s32 $0xFFFFFD80  }
0x49: {  	[tilespmem:s28], [sflag:$0x1] =	stream.linear.gather [spmem:s11], $0x280, $0x38;
	[tilespmem:$0xA200] =	vst v63  }
0x4a: {  	_ =	swait.ge [sflag:s23], $0x280  }
0x4b: {  	[sflag:s23] =	ssyncset.done $0x0  }
0x4c: {  	s28 =	simm.s32 $0x5C00;
	[sflag:s23] =	ssyncadd.s32 $0xFFFFFD80  }
0x4d: {  	[tilespmem:s28], [sflag:$0x1] =	stream.linear.gather [spmem:s12], $0x280, $0x38;
	[tilespmem:$0xA200] =	vst v63  }
0x4e: {  	_ =	swait.ge [sflag:s23], $0x280  }
0x4f: {  	[sflag:s23] =	ssyncset.done $0x0  }
0x50: {  	s28 =	simm.s32 $0x5E80;
	[sflag:s23] =	ssyncadd.s32 $0xFFFFFD80  }
0x51: {  	[tilespmem:s28], [sflag:$0x1] =	stream.linear.gather [spmem:s13], $0x280, $0x38;
	[tilespmem:$0xA200] =	vst v63  }
0x52: {  	_ =	swait.ge [sflag:s23], $0x280  }
0x53: {  	[sflag:s23] =	ssyncset.done $0x0  }
0x54: {  	s28 =	simm.s32 $0x6100;
	[sflag:s23] =	ssyncadd.s32 $0xFFFFFD80  }
0x55: {  	[tilespmem:s28], [sflag:$0x1] =	stream.linear.gather [spmem:s14], $0x280, $0x38;
	[tilespmem:$0xA200] =	vst v63  }
0x56: {  	_ =	swait.ge [sflag:s23], $0x280  }
0x57: {  	[sflag:s23] =	ssyncset.done $0x0  }
0x58: {  	s28 =	simm.s32 $0x6380;
	[sflag:s23] =	ssyncadd.s32 $0xFFFFFD80  }
0x59: {  	[tilespmem:s28], [sflag:$0x1] =	stream.linear.gather [spmem:s15], $0x280, $0x38;
	[tilespmem:$0xA200] =	vst v63  }
0x5a: {  	_ =	swait.ge [sflag:s23], $0x280  }
0x5b: {  	[sflag:s23] =	ssyncset.done $0x0  }
0x5c: {  	s28 =	simm.s32 $0x6600;
	[sflag:s23] =	ssyncadd.s32 $0xFFFFFD80  }
0x5d: {  	[tilespmem:s28], [sflag:$0x1] =	stream.linear.gather [spmem:s16], $0x280, $0x38;
	[tilespmem:$0xA200] =	vst v63  }
0x5e: {  	_ =	swait.ge [sflag:s23], $0x280  }
0x5f: {  	[sflag:s23] =	ssyncset.done $0x0  }
0x60: {  	s28 =	simm.s32 $0x6880;
	[sflag:s23] =	ssyncadd.s32 $0xFFFFFD80  }
0x61: {  	[tilespmem:s28], [sflag:$0x1] =	stream.linear.gather [spmem:s17], $0x280, $0x38;
	[tilespmem:$0xA200] =	vst v63  }
0x62: {  	_ =	swait.ge [sflag:s23], $0x280  }
0x63: {  	[sflag:s23] =	ssyncset.done $0x0  }
0x64: {  	s28 =	simm.s32 $0x6B00;
	[sflag:s23] =	ssyncadd.s32 $0xFFFFFD80  }
0x65: {  	[tilespmem:s28], [sflag:$0x1] =	stream.linear.gather [spmem:s18], $0x280, $0x38;
	[tilespmem:$0xA200] =	vst v63  }
0x66: {  	_ =	swait.ge [sflag:s23], $0x280  }
0x67: {  	[sflag:s23] =	ssyncset.done $0x0  }
0x68: {  	s28 =	simm.s32 $0x6D80;
	[sflag:s23] =	ssyncadd.s32 $0xFFFFFD80  }
0x69: {  	[tilespmem:s28], [sflag:$0x1] =	stream.linear.gather [spmem:s19], $0x280, $0x38;
	[tilespmem:$0xA200] =	vst v63  }
0x6a: {  	_ =	swait.ge [sflag:s23], $0x280  }
0x6b: {  	[sflag:s23] =	ssyncset.done $0x0  }
0x6c: {  	s28 =	simm.s32 $0x7000;
	[sflag:s23] =	ssyncadd.s32 $0xFFFFFD80  }
0x6d: {  	[tilespmem:s28], [sflag:$0x1] =	stream.linear.gather [spmem:s20], $0x280, $0x38;
	[tilespmem:$0xA200] =	vst v63  }
0x6e: {  	_ =	swait.ge [sflag:s23], $0x280  }
0x6f: {  	[sflag:s23] =	ssyncset.done $0x0  }
0x70: {  	s28 =	simm.s32 $0x7280;
	[sflag:s23] =	ssyncadd.s32 $0xFFFFFD80  }
0x71: {  	[tilespmem:s28], [sflag:$0x1] =	stream.linear.gather [spmem:s21], $0x280, $0x38;
	[tilespmem:$0xA200] =	vst v63  }
0x72: {  	_ =	swait.ge [sflag:s23], $0x280  }
0x73: {  	[sflag:s23] =	ssyncset.done $0x0  }
0x74: {  	[sflag:s23] =	ssyncadd.s32 $0xFFFFFD80  }
0x75: {  	[tilespmem:s31], [sflag:$0x1] =	stream.linear.gather [spmem:s22], $0x280, $0x38;
	[tilespmem:$0xA200] =	vst v63  }
0x76: {  	_ =	swait.ge [sflag:s23], $0x280  }
0x77: {  	s28 =	simm.s32 $0x0;
	[sflag:s23] =	ssyncset.done $0x0  }
0x78: {  	s28 =	sand.u32 $0x3F0, s28;
	[sflag:s23] =	ssyncadd.s32 $0xFFFFFD80  }
0x79: {  	v2 =	vld [tilespmem:s28+$0x5200]  }
0x7a: {  	v3 =	vld [tilespmem:s26+$0x0];
	_ =	sdelay $0x1  }
0x7b: {  	v4 =	vld [tilespmem:s28+$0x5480];
	_ =	sdelay $0x1  }
0x7c: {  	v5 =	vld [tilespmem:s28+$0x5700]  }
0x7d: {  	v2 =	vadd.f32 v2, v3  }
0x7e: {  	v3 =	vld [tilespmem:s28+$0x5980]  }
0x7f: {  	v2 =	vadd.f32 v4, v2  }
0x80: {  	v56 =	vld [tilespmem:s28+$0x5C00]  }
0x81: {  	v2 =	vadd.f32 v5, v2  }
0x82: {  	v57 =	vld [tilespmem:s28+$0x5E80]  }
0x83: {  	v2 =	vadd.f32 v3, v2  }
0x84: {  	v3 =	vld [tilespmem:s28+$0x6100]  }
0x85: {  	v2 =	vadd.f32 v56, v2  }
0x86: {  	v58 =	vld [tilespmem:s28+$0x6380]  }
0x87: {  	v2 =	vadd.f32 v57, v2  }
0x88: {  	v59 =	vld [tilespmem:s28+$0x6600]  }
0x89: {  	v2 =	vadd.f32 v3, v2  }
0x8a: {  	v3 =	vld [tilespmem:s28+$0x6880]  }
0x8b: {  	v2 =	vadd.f32 v58, v2  }
0x8c: {  	v60 =	vld [tilespmem:s28+$0x6B00]  }
0x8d: {  	v2 =	vadd.f32 v59, v2  }
0x8e: {  	v61 =	vld [tilespmem:s28+$0x6D80]  }
0x8f: {  	v2 =	vadd.f32 v3, v2  }
0x90: {  	v3 =	vld [tilespmem:s28+$0x7000]  }
0x91: {  	v2 =	vadd.f32 v60, v2  }
0x92: {  	v62 =	vld [tilespmem:s28+$0x7280]  }
0x93: {  	v2 =	vadd.f32 v61, v2  }
0x94: {  	v63 =	vld [tilespmem:s28+$0x7500]  }
0x95: {  	v2 =	vadd.f32 v3, v2;
	_ =	sdelay $0x1  }
0x96: {  	v2 =	vadd.f32 v62, v2;
	_ =	sdelay $0x1  }
0x97: {  	v2 =	vadd.f32 v63, v2  }
0x98: {  	s26 =	simm.s32 $0x7780;
	s28 =	simm.s32 $0x10  }
0x99: {  	s28 =	sand.u32 $0x3F0, s28;
	[tilespmem:s26+$0x0] =	vst v2  }
0x9a: {  	s30 =	simm.s32 $0x20;
	s29 =	simm.s32 $0x4F90;
	v2 =	vld [tilespmem:s28+$0x5200]  }
.LBB2_6:
0x9b: {  	p0 =	sne.s32 s30, $0x270;
	v3 =	vld [tilespmem:s29+$0x0];
	_ =	sdelay $0x1  }
0x9c: {  	v4 =	vld [tilespmem:s28+$0x5480];
	_ =	sdelay $0x1  }
0x9d: {  	v5 =	vld [tilespmem:s28+$0x5700]  }
0x9e: {  	v2 =	vadd.f32 v2, v3  }
0x9f: {  	v3 =	vld [tilespmem:s28+$0x5980]  }
0xa0: {  	v2 =	vadd.f32 v4, v2  }
0xa1: {  	v4 =	vld [tilespmem:s28+$0x5C00]  }
0xa2: {  	v2 =	vadd.f32 v5, v2  }
0xa3: {  	v5 =	vld [tilespmem:s28+$0x5E80]  }
0xa4: {  	v2 =	vadd.f32 v3, v2  }
0xa5: {  	v3 =	vld [tilespmem:s28+$0x6100]  }
0xa6: {  	v2 =	vadd.f32 v4, v2  }
0xa7: {  	v4 =	vld [tilespmem:s28+$0x6380]  }
0xa8: {  	v2 =	vadd.f32 v5, v2  }
0xa9: {  	v5 =	vld [tilespmem:s28+$0x6600]  }
0xaa: {  	v2 =	vadd.f32 v3, v2  }
0xab: {  	v3 =	vld [tilespmem:s28+$0x6880]  }
0xac: {  	v2 =	vadd.f32 v4, v2  }
0xad: {  	v4 =	vld [tilespmem:s28+$0x6B00]  }
0xae: {  	v2 =	vadd.f32 v5, v2  }
0xaf: {  	v5 =	vld [tilespmem:s28+$0x6D80]  }
0xb0: {  	v2 =	vadd.f32 v3, v2  }
0xb1: {  	v3 =	vld [tilespmem:s28+$0x7000]  }
0xb2: {  	v2 =	vadd.f32 v4, v2  }
0xb3: {  	v4 =	vld [tilespmem:s28+$0x7280]  }
0xb4: {  	v2 =	vadd.f32 v5, v2  }
0xb5: {  	v5 =	vld [tilespmem:s28+$0x7500]  }
0xb6: {  	v2 =	vadd.f32 v3, v2;
	_ =	sdelay $0x1  }
0xb7: {  	v2 =	vadd.f32 v4, v2  }
.Ltmp2:
0xb8: {  	(pc) =	sbr.rel @p0 .LBB2_6-.Ltmp2, $4  }
0xb9: {  	v2 =	vadd.f32 v5, v2  }
0xba: {  	s26 =	sadd.s32 $0x10, s26  }
0xbb: {  	s28 =	sand.u32 $0x3F0, s30;
	[tilespmem:s26+$0x0] =	vst v2  }
0xbc: {  	s29 =	sadd.s32 $0x10, s29;
	s30 =	sadd.s32 $0x10, s30;
	v2 =	vld [tilespmem:s28+$0x5200]  }
0xbd: {  	v3 =	vld [tilespmem:s29+$0x0];
	_ =	sdelay $0x1  }
0xbe: {  	v4 =	vld [tilespmem:s28+$0x5480];
	_ =	sdelay $0x1  }
0xbf: {  	v5 =	vld [tilespmem:s28+$0x5700]  }
0xc0: {  	v2 =	vadd.f32 v2, v3  }
0xc1: {  	v3 =	vld [tilespmem:s28+$0x5980]  }
0xc2: {  	v2 =	vadd.f32 v4, v2  }
0xc3: {  	v56 =	vld [tilespmem:s28+$0x5C00]  }
0xc4: {  	v2 =	vadd.f32 v5, v2  }
0xc5: {  	v57 =	vld [tilespmem:s28+$0x5E80]  }
0xc6: {  	v2 =	vadd.f32 v3, v2  }
0xc7: {  	v3 =	vld [tilespmem:s28+$0x6100]  }
0xc8: {  	v2 =	vadd.f32 v56, v2  }
0xc9: {  	v58 =	vld [tilespmem:s28+$0x6380]  }
0xca: {  	v2 =	vadd.f32 v57, v2  }
0xcb: {  	v59 =	vld [tilespmem:s28+$0x6600]  }
0xcc: {  	v2 =	vadd.f32 v3, v2  }
0xcd: {  	v3 =	vld [tilespmem:s28+$0x6880]  }
0xce: {  	v2 =	vadd.f32 v58, v2  }
0xcf: {  	v60 =	vld [tilespmem:s28+$0x6B00]  }
0xd0: {  	v2 =	vadd.f32 v59, v2  }
0xd1: {  	v61 =	vld [tilespmem:s28+$0x6D80]  }
0xd2: {  	v2 =	vadd.f32 v3, v2  }
0xd3: {  	v3 =	vld [tilespmem:s28+$0x7000]  }
0xd4: {  	v2 =	vadd.f32 v60, v2  }
0xd5: {  	v62 =	vld [tilespmem:s28+$0x7280]  }
0xd6: {  	v2 =	vadd.f32 v61, v2  }
0xd7: {  	v63 =	vld [tilespmem:s28+$0x7500]  }
0xd8: {  	v2 =	vadd.f32 v3, v2;
	_ =	sdelay $0x1  }
0xd9: {  	v2 =	vadd.f32 v62, v2;
	_ =	sdelay $0x1  }
0xda: {  	s25 =	sadd.s32 $0x1, s25;
	v2 =	vadd.f32 v63, v2  }
0xdb: {  	s26 =	sadd.s32 $0x10, s26;
	p0 =	sne.s32 s25, s7  }
.Ltmp3:
0xdc: {  	[tilespmem:s26+$0x0] =	vst v2;
	(pc) =	sbr.rel @p0 .LBB2_1-.Ltmp3, $4  }
0xdd: {  	[hbm4b:s6+s1] =	stream.strided.scatter [tilespmem:s2], [sflag:$0x1], $0x280, s0, s1, $0x38;
	[tilespmem:$0xA200] =	vst v63  }
0xde: {  	_ =	swait.ge [sflag:s23], $0x280  }
0xdf: {  	[sflag:s23] =	ssyncset.done $0x0  }
0xe0: {  	[sflag:s23] =	ssyncadd.s32 $0xFFFFFD80  }
0xe1: {  	_ =	sfence.sel $0x180000  }
0xe2: {  	[bflag:$0x0] =	sbarrier.arrive $0xFFFF  }
0xe3: {  	_ =	strace $0x90000047  }
0xe4: {  	s0 =	stileid.u32;
	[bflag:$0x2] =	sbarrier.arrive $0xFFFF  }
0xe5: {  	p0 =	sne.s32 s0, $0x0;
	s0 =	rddreg [dreg:$0x3]  }
0xe6: {  	s0 =	sadd.s32 @!p0 $0x100000, s0  }
0xe7: {  	[sflag:s0] =	ssyncadd.tile.s32 @!p0 $0x1;
	_ =	shalt  }
.Lfunc_end2:
_tile_overlayer_lowered:
.L_overlay_start_2:
0xe8: {  	(tag) =	ssettag $0x2  }
0xe9: {  	s0 =	rddreg [dreg:$0x0];
	s2 =	stileid.u32  }
0xea: {  	s1 =	rddreg [dreg:$0x1];
	p0 =	sne.s32 s2, $0x0  }
0xeb: {  	s3 =	rddreg [dreg:$0x2];
	[bflag:$0x3] =	sbarrier.arrive $0xFFFF;
	s2 =	simm.s32 @!p0 $0x1C01  }
0xec: {  	[timem:s3], [sflag:s2] =	dma.local @!p0 [hbm:s0], s1  }
0xed: {  	s0 =	simm.s32 @!p0 $0x1  }
0xee: {  	_ =	swait.ge @!p0 [sflag:s0], s1  }
0xef: {  	s1 =	ssub.s32 @!p0 $0x0, s1;
	[sflag:s0] =	ssyncset.done @!p0 $0x0  }
0xf0: {  	[sflag:s0] =	ssyncadd.s32 @!p0 s1  }
0xf1: {  	[bflag:$0x3] =	sbarrier.arrive $0xFFFF  }
0xf2: {  	_ =	shalt  }

// kernel: _impl.13.cloned.1.call-start
scs
__scs_entry_jumppad:
0x0: {  	(pc) =	sbr.rel $0x88, $3  }
0x1: {  	(tag) =	ssettag $0x0;
	lr =	simm.s32 $0x1  }
0x2: {  	[smem:$0x3F98] =	sst lr;
	_ =	strace $0xD0000000  }
0x3: {  	_ = 	snop  }
0x4: {  	_ = 	snop  }
0x5: {  	_ = 	snop  }
0x6: {  	_ = 	snop  }
0x7: {  	_ = 	snop  }
__scs_overlays_trampoline_lowered:
0x8: {  	[smem:$0x3FA7] =	sst s0  }
0x9: {  	[smem:$0x3FA8] =	sst s1  }
0xa: {  	[smem:$0x3FA9] =	sst s2  }
0xb: {  	[smem:$0x3FAA] =	sst s3  }
0xc: {  	[smem:$0x3FAB] =	sst s4  }
0xd: {  	[smem:$0x3FAC] =	sst s5  }
0xe: {  	[smem:$0x3FAD] =	sst s6  }
0xf: {  	[smem:$0x3FAE] =	sst s7  }
0x10: {  	[smem:$0x3FAF] =	sst s8  }
0x11: {  	[smem:$0x3FB0] =	sst s9;
	s0 =	simm.s32 @!p0 $0x0  }
0x12: {  	s1 =	sld [smem:$0x3F96];
	s0 =	simm.s32 @p0 $0x1  }
0x13: {  	[smem:$0x3FB1] =	sst s0;
	s0 =	simm.s32 @!p1 $0x0  }
0x14: {  	s2 =	sld [smem:$0x3F95];
	s0 =	simm.s32 @p1 $0x1  }
0x15: {  	[smem:$0x3FB2] =	sst s0;
	s0 =	simm.s32 @!p2 $0x0  }
0x16: {  	s3 =	sld [smem:$0x3FDB];
	s0 =	simm.s32 @p2 $0x1  }
0x17: {  	s4 =	simm.s32 $0x1BF5;
	[smem:$0x3FB4] =	sst s0  }
0x18: {  	s0 =	sld [smem:$0x3F97];
	_ =	swait.ge [sflag:s4], $0x0  }
0x19: {  	s7 =	sld [smem:$0x3F98]  }
0x1a: {  	s8 =	sadd.s32 $0xFFFFE003, lr  }
0x1b: {  	s9 =	sadd.s32 $0xFFFFFEF7, lr;
	s5 =	simm.s32 $0xFFFFFFFF;
	p2 =	slt.u32 s8, $0xFFFFF086  }
0x1c: {  	p1 =	slt.u32 s9, $0xF7A;
	s5 =	simm.s32 @!p2 $0x0  }
0x1d: {  	s5 =	simm.s32 @p1 $0x1;
	p0 =	seq.s32 s7, s2  }
0x1e: {  	s7 =	smul.u32 @!p0 $0xF7A, s2;
	p2 =	seq.s32 @!p0 s5, $0x0  }
0x1f: {  	s9 =	smul.u32 $0xF7A, s1;
	s8 =	simm.s32 @!p0 $0x1BF5;
	p2 =	por !p2, p0  }
0x20: {  	[sflag:s8] =	ssyncset.s32 @!p0 $0xFFFFF086;
	s6 =	sadd.s32 @!p0 s3, s7;
	s7 =	simm.s32 @!p0 $0x108  }
0x21: {  	s3 =	sadd.s32 s3, s9;
	s6 =	sadd.s32 @!p0 $0x88, s6;
	s7 =	simm.s32 @p2 $0x1082  }
0x22: {  	[simem:s7], [sflag:s8] =	dma.local @!p0 [hbm:s6], $0xF7A  }
0x23: {  	s9 =	sor.u32 $0xD0000000, s2;
	s6 =	simm.s32 $0x108;
	_ =	swait.ge @!p0 [sflag:s8], $0x0  }
0x24: {  	s3 =	sadd.s32 $0x88, s3;
	s6 =	simm.s32 @!p1 $0x1082;
	[sflag:s4] =	ssyncset.s32 $0xFFFFF086  }
0x25: {  	[simem:s6], [sflag:s4] =	dma.local [hbm:s3], $0xF7A  }
0x26: {  	[smem:$0x3F98] =	sst s1;
	(tag) =	ssettag s2;
	_ =	strace s9  }
0x27: {  	s1 =	sld [smem:$0x3FA8]  }
0x28: {  	s2 =	sld [smem:$0x3FA9]  }
0x29: {  	s4 =	sld [smem:$0x3FAB]  }
0x2a: {  	p0 =	seq.s32 s5, $0x0;
	s5 =	sld [smem:$0x3FAC]  }
0x2b: {  	s6 =	sld [smem:$0x3FAD]  }
0x2c: {  	s7 =	sld [smem:$0x3FAE]  }
0x2d: {  	s3 =	simm.s32 $0x108;
	s8 =	sld [smem:$0x3FAF]  }
0x2e: {  	s3 =	simm.s32 @!p0 $0x1082;
	s9 =	sld [smem:$0x3FB0]  }
0x2f: {  	lr =	sadd.s32 s0, s3;
	s0 =	sld [smem:$0x3FA7]  }
0x30: {  	s3 =	sld [smem:$0x3FAA]  }
0x31: {  	[smem:$0x3FB3] =	sst s10  }
0x32: {  	s10 =	sld [smem:$0x3FB1];
	_ =	sdelay $0x3  }
0x33: {  	p0 =	seq.s32 s10, $0x1;
	s10 =	sld [smem:$0x3FB3];
	_ =	sdelay $0x3  }
0x34: {  	[smem:$0x3FB3] =	sst s10  }
0x35: {  	s10 =	sld [smem:$0x3FB2];
	_ =	sdelay $0x3  }
0x36: {  	p1 =	seq.s32 s10, $0x1;
	s10 =	sld [smem:$0x3FB3];
	_ =	sdelay $0x3  }
0x37: {  	[smem:$0x3FB3] =	sst s10  }
0x38: {  	s10 =	sld [smem:$0x3FB4]  }
0x39: {  	_ = 	snop;
	(pc) =	sbr.ind lr, $3  }
0x3a: {  	_ = 	snop  }
0x3b: {  	_ = 	snop  }
0x3c: {  	p2 =	seq.s32 s10, $0x1;
	s10 =	sld [smem:$0x3FB3]  }
0x3d: {  	_ =	shalt  }
0x3e: {  	_ =	shalt  }
0x3f: {  	_ =	shalt  }
0x40: {  	_ =	shalt  }
0x41: {  	_ =	shalt  }
0x42: {  	_ =	shalt  }
0x43: {  	_ =	shalt  }
0x44: {  	_ =	shalt  }
0x45: {  	_ =	shalt  }
0x46: {  	_ =	shalt  }
0x47: {  	_ =	shalt  }
0x48: {  	_ =	shalt  }
0x49: {  	_ =	shalt  }
0x4a: {  	_ =	shalt  }
0x4b: {  	_ =	shalt  }
0x4c: {  	_ =	shalt  }
0x4d: {  	_ =	shalt  }
0x4e: {  	_ =	shalt  }
0x4f: {  	_ =	shalt  }
0x50: {  	_ =	shalt  }
0x51: {  	_ =	shalt  }
0x52: {  	_ =	shalt  }
0x53: {  	_ =	shalt  }
0x54: {  	_ =	shalt  }
0x55: {  	_ =	shalt  }
0x56: {  	_ =	shalt  }
0x57: {  	_ =	shalt  }
0x58: {  	_ =	shalt  }
0x59: {  	_ =	shalt  }
0x5a: {  	_ =	shalt  }
0x5b: {  	_ =	shalt  }
0x5c: {  	_ =	shalt  }
0x5d: {  	_ =	shalt  }
0x5e: {  	_ =	shalt  }
0x5f: {  	_ =	shalt  }
0x60: {  	_ =	shalt  }
0x61: {  	_ =	shalt  }
0x62: {  	_ =	shalt  }
0x63: {  	_ =	shalt  }
0x64: {  	_ =	shalt  }
0x65: {  	_ =	shalt  }
0x66: {  	_ =	shalt  }
0x67: {  	_ =	shalt  }
0x68: {  	_ =	shalt  }
0x69: {  	_ =	shalt  }
0x6a: {  	_ =	shalt  }
0x6b: {  	_ =	shalt  }
0x6c: {  	_ =	shalt  }
0x6d: {  	_ =	shalt  }
0x6e: {  	_ =	shalt  }
0x6f: {  	_ =	shalt  }
0x70: {  	_ =	shalt  }
0x71: {  	_ =	shalt  }
0x72: {  	_ =	shalt  }
0x73: {  	_ =	shalt  }
0x74: {  	_ =	shalt  }
0x75: {  	_ =	shalt  }
0x76: {  	_ =	shalt  }
0x77: {  	_ =	shalt  }
0x78: {  	_ =	shalt  }
0x79: {  	_ =	shalt  }
0x7a: {  	_ =	shalt  }
0x7b: {  	_ =	shalt  }
0x7c: {  	_ =	shalt  }
0x7d: {  	_ =	shalt  }
0x7e: {  	_ =	shalt  }
0x7f: {  	_ =	shalt  }
0x80: {  	_ =	shalt  }
0x81: {  	_ =	shalt  }
0x82: {  	_ =	shalt  }
0x83: {  	_ =	shalt  }
0x84: {  	_ =	shalt  }
0x85: {  	_ =	shalt  }
0x86: {  	_ =	shalt  }
0x87: {  	_ =	shalt  }
.Lfunc_end0:
.L_simem_size_0:
called_computation.2_lowered:
.L_overlay_start_0:
0x88: {  	s2 =	sld [smem:$0x3FD9]  }
0x89: {  	s3 =	sld [smem:$0x3FFE];
	_ =	sdelay $0x1  }
0x8a: {  	s1 =	srdreg.scid  }
0x8b: {  	s0 =	sand.u32 $0x1, s1  }
0x8c: {  	s17 =	sshll.u32 s0, $0xA;
	s2 =	sadd.s32 s3, s2  }
0x8d: {  	s2 =	sadd.s32 s2, s17  }
0x8e: {  	[smem:$0x3FBF] =	sst s2  }
0x8f: {  	_ = 	snop  }
0x90: {  	s2 =	sld [smem:$0x3FC8]  }
0x91: {  	s18 =	sld [smem:$0x3FC7]  }
0x92: {  	s4 =	sld [smem:$0x3FD0];
	(tm) =	ssettm $0x1  }
0x93: {  	s5 =	sld [smem:$0x3FFB];
	_ =	sdelay $0x3  }
0x94: {  	_ =	strace s5  }
0x95: {  	s5 =	sld [smem:$0x3FFC];
	_ =	sdelay $0x3  }
0x96: {  	_ =	strace s5  }
0x97: {  	s5 =	sld [smem:$0x3FFD];
	_ =	sdelay $0x3  }
0x98: {  	_ =	strace s5  }
0x99: {  	_ =	strace $0x8FFFFFFF  }
0x9a: {  	s19 =	sld [smem:$0x3FDB];
	_ =	sdelay $0x1  }
0x9b: {  	s6 =	simm.s32 $_scs_section_size  }
0x9c: {  	s7 =	simm.s32 $_size__tile_overlayer_lowered;
	s8 =	simm.s32 $_tile_overlayer_lowered  }
0x9d: {  	s22 =	simm.s32 $0x1BFF;
	s21 =	sshll.u32 s8, $0x1;
	s5 =	sadd.s32 s6, s19  }
0x9e: {  	s9 =	simm.s32 $0x0;
	s20 =	sshll.u32 s7, $0x1;
	s7 =	sadd.s32 s21, s5  }
0x9f: {  	[timem:s9], [sflag:s22] =	dma.local [hbm:s7], s20  }
0xa0: {  	_ =	swait.ge [sflag:s22], s20  }
0xa1: {  	s6 =	ssub.s32 $0x0, s20;
	[sflag:s22] =	ssyncset.done $0x0  }
0xa2: {  	[sflag:s22] =	ssyncadd.s32 s6;
	_ =	sdelay $0x1  }
0xa3: {  	s23 =	simm.s32 $0x1B8B  }
0xa4: {  	_ =	swait.ge [sflag:s23], $0x1  }
0xa5: {  	[sflag:s23] =	ssyncset.done $0x0  }
0xa6: {  	s25 =	simm.s32 $0x1B8E;
	s24 =	sld [smem:$0x3FFE];
	[sflag:s23] =	ssyncadd.s32 $0xFFFFFFFF  }
0xa7: {  	s26 =	simm.s32 $execute0_lowered;
	[smem:$0x3FD2] =	sst s25  }
0xa8: {  	s7 =	sshll.u32 s26, $0x1;
	_ =	strace $0x8000004C;
	[dreg:$0x1] =	wrdreg $0xFFFFFFFF  }
0xa9: {  	s28 =	simm.s32 $_size_execute0_lowered;
	s5 =	sadd.s32 s5, s7;
	[dreg:$0x0] =	wrdreg $0x0  }
0xaa: {  	s7 =	sshll.u32 s28, $0x1;
	[dreg:$0x2] =	wrdreg s5  }
0xab: {  	[dreg:$0x3] =	wrdreg s7  }
0xac: {  	[dreg:$0x4] =	wrdreg $0xC0  }
0xad: {  	_ =	task [dreg:s9], $0x5FFFF  }
0xae: {  	[dreg:$0x1] =	wrdreg $0xFFFFFFFF  }
0xaf: {  	[dreg:$0x0] =	wrdreg $0x60  }
0xb0: {  	[dreg:$0x2] =	wrdreg s4  }
0xb1: {  	[dreg:$0x3] =	wrdreg s2  }
0xb2: {  	[dreg:$0x4] =	wrdreg s18  }
0xb3: {  	[dreg:$0x5] =	wrdreg s24  }
0xb4: {  	[dreg:$0x6] =	wrdreg $0x51000  }
0xb5: {  	[dreg:$0x7] =	wrdreg $0x9  }
0xb6: {  	_ =	task.clear_ibuf [dreg:s9], $0x8FFFF;
	_ =	strace $0x9000004C  }
0xb7: {  	s29 =	simm.s32 $0x9;
	_ =	strace $0x8000004E  }
0xb8: {  	_ =	swait.ge [sflag:s29], $0x1  }
0xb9: {  	[sflag:s29] =	ssyncadd.s32 $0xFFFFFFFF  }
0xba: {  	_ =	strace $0x9000004E  }
0xbb: {  	_ =	sfence  }
0xbc: {  	s30 =	sld [smem:$0x0];
	_ =	sdelay $0x2  }
0xbd: {  	s31 =	sshll.u32 s1, $0xD;
	s1 =	sshrl.u32 s1, $0x2  }
0xbe: {  	s3 =	sand.u32 $0x4000, s31;
	s1 =	sadd.s32 s1, s30  }
0xbf: {  	s0 =	sor.u32 s3, s0;
	s1 =	sshll.u32 s1, $0x11  }
0xc0: {  	s0 =	sor.u32 s1, s0  }
0xc1: {  	s0 =	sadd.s32 $0x8F2B, s0  }
0xc2: {  	[sflag:s0] =	ssyncadd.remote.s32 $0x1  }
0xc3: {  	_ =	sfence.sel $0xFFFF  }
0xc4: {  	[dreg:$0x0] =	wrdreg $0xFFFFFFFF;
	(pc) =	sbr.abs _section_cstart, $3  }
0xc5: {  	[dreg:$0x1] =	wrdreg $0xFFFFFFFF  }
0xc6: {  	_ =	task.clear_ibuf [dreg:s9], $0x2FFFF;
	_ =	strace $0x9FFFFFFF  }
0xc7: {  	(tm) =	ssettm $0x7FFFFFFF  }
tec
execute0_lowered:
.L_overlay_start_1:
0x0: {  	(tag) =	ssettag $0x1  }
0x1: {  	s0 =	rddreg [dreg:$0x0]  }
0x2: {  	s1 =	rddreg [dreg:$0x1]  }
0x3: {  	s2 =	rddreg [dreg:$0x2]  }
0x4: {  	s5 =	rddreg [dreg:$0x3];
	s4 =	srdreg.scid  }
0x5: {  	s3 =	rddreg [dreg:$0x4];
	s12 =	stileid.u32;
	s31 =	simm.s32 $0x4100  }
0x6: {  	s7 =	sand.u32 $0x1, s4;
	s4 =	simm.s32 $0x0;
	s8 =	smul.u32 $0x14000, s12  }
0x7: {  	s9 =	smul.u32 $0x50000, s12;
	p0 =	slt.u32 s12, $0x2;
	s22 =	sshll.u32 s12, $0x8  }
0x8: {  	s6 =	smul.u32 $0x140000, s7;
	[smem:$0x7FF] =	sst s4;
	s20 =	ssub.s32 $0x2, s7  }
0x9: {  	s7 =	sshll.u32 s7, $0x7;
	_ =	strace $0x8000004D;
	s10 =	sshrl.u32 s20, $0x1  }
0xa: {  	s21 =	sshrl.u32 s9, $0x2;
	s7 =	sor.u32 s7, s22;
	s6 =	sadd.s32 s8, s6  }
0xb: {  	s8 =	ssub.s32 s20, s10;
	s7 =	sshrl.u32 s7, $0x3;
	s6 =	sshrl.u32 s6, $0x3  }
0xc: {  	s8 =	smax.u32 s8, $0x1;
	s10 =	sadd.s32 s7, s2;
	s2 =	simm.s32 $0x80  }
0xd: {  	s11 =	sadd.s32 s6, s5;
	s5 =	sadd.s32 s21, s3;
	s6 =	simm.s32 $0x4F  }
0xe: {  	[dreg:$0x7] =	wrdreg s8;
	s8 =	simm.s32 $0x0;
	s6 =	simm.s32 @!p0 $0x4E  }
0xf: {  	s23 =	sadd.s32 $0x2600, s11;
	s24 =	sadd.s32 $0x1000, s5;
	s25 =	sadd.s32 $0x2000, s5  }
0x10: {  	s26 =	sadd.s32 $0x3000, s5;
	s12 =	sadd.s32 $0x4000, s5;
	s13 =	sadd.s32 $0x5000, s5  }
0x11: {  	s14 =	sadd.s32 $0x6000, s5;
	s15 =	sadd.s32 $0x7000, s5;
	s16 =	sadd.s32 $0x8000, s5  }
0x12: {  	s17 =	sadd.s32 $0x9000, s5;
	s18 =	sadd.s32 $0xA000, s5;
	s19 =	sadd.s32 $0xB000, s5  }
0x13: {  	s20 =	sadd.s32 $0xC000, s5;
	s21 =	sadd.s32 $0xD000, s5;
	s22 =	sadd.s32 $0xE000, s5  }
0x14: {  	s11 =	sadd.s32 s7, s1;
	s28 =	sadd.s32 $0x11000, s5;
	[dreg:$0x6] =	wrdreg s23  }
0x15: {  	s29 =	sadd.s32 $0x12000, s5;
	s30 =	sadd.s32 $0x13000, s5;
	[dreg:$0x8] =	wrdreg s24  }
0x16: {  	s1 =	simm.s32 $0x1;
	s7 =	simm.s32 $0x100;
	[dreg:$0x9] =	wrdreg s25  }
0x17: {  	v0 =	vimm.f32 $0.0e+00;
	[dreg:$0xa] =	wrdreg s26;
	s25 =	sadd.s32 $0xF000, s5;
	s26 =	sadd.s32 $0x10000, s5  }
.LBB2_1:
0x18: {  	s9 =	simm.s32 $0x0;
	s23 =	simm.s32 $0x200  }
.LBB2_2:
0x19: {  	p0 =	sne.s32 s23, $0x3E00;
	[tilespmem:s9+$0x4170] =	vst v0  }
0x1a: {  	[tilespmem:s9+$0x4100] =	vst v0  }
0x1b: {  	[tilespmem:s9+$0x4110] =	vst v0  }
.Ltmp0:
0x1c: {  	[tilespmem:s9+$0x4120] =	vst v0;
	(pc) =	sbr.rel @p0 .LBB2_2-.Ltmp0, $4  }
0x1d: {  	[tilespmem:s9+$0x4130] =	vst v0  }
0x1e: {  	[tilespmem:s9+$0x4140] =	vst v0  }
0x1f: {  	[tilespmem:s9+$0x4150] =	vst v0  }
0x20: {  	[tilespmem:s9+$0x4160] =	vst v0;
	s9 =	sshra.s32 s23, $0x2;
	s23 =	sadd.s32 $0x200, s23  }
0x21: {  	[tilespmem:s9+$0x4170] =	vst v0  }
0x22: {  	[tilespmem:s9+$0x4100] =	vst v0  }
0x23: {  	[tilespmem:s9+$0x4110] =	vst v0  }
0x24: {  	[tilespmem:s9+$0x4120] =	vst v0  }
0x25: {  	[tilespmem:s9+$0x4130] =	vst v0  }
0x26: {  	[tilespmem:s9+$0x4140] =	vst v0  }
0x27: {  	[tilespmem:s9+$0x4150] =	vst v0  }
0x28: {  	[tilespmem:s9+$0x4160] =	vst v0  }
0x29: {  	[spmem:s5] =	stream.linear.scatter [tilespmem:s31], [sflag:$0x1], $0x1000, $0x38;
	[tilespmem:$0x19100] =	vst v63  }
0x2a: {  	_ =	swait.ge [sflag:s1], $0x1000  }
0x2b: {  	[sflag:s1] =	ssyncset.done $0x0  }
0x2c: {  	s24 =	rddreg [dreg:$0x8];
	[sflag:s1] =	ssyncadd.s32 $0xFFFFF000  }
0x2d: {  	[spmem:s24] =	stream.linear.scatter [tilespmem:s31], [sflag:$0x1], $0x1000, $0x38;
	[tilespmem:$0x19100] =	vst v63  }
0x2e: {  	_ =	swait.ge [sflag:s1], $0x1000  }
0x2f: {  	[sflag:s1] =	ssyncset.done $0x0  }
0x30: {  	s23 =	rddreg [dreg:$0x9];
	[sflag:s1] =	ssyncadd.s32 $0xFFFFF000  }
0x31: {  	[spmem:s23] =	stream.linear.scatter [tilespmem:s31], [sflag:$0x1], $0x1000, $0x38;
	[tilespmem:$0x19100] =	vst v63  }
0x32: {  	_ =	swait.ge [sflag:s1], $0x1000  }
0x33: {  	[sflag:s1] =	ssyncset.done $0x0  }
0x34: {  	s24 =	rddreg [dreg:$0xa];
	[sflag:s1] =	ssyncadd.s32 $0xFFFFF000  }
0x35: {  	[spmem:s24] =	stream.linear.scatter [tilespmem:s31], [sflag:$0x1], $0x1000, $0x38;
	[tilespmem:$0x19100] =	vst v63  }
0x36: {  	_ =	swait.ge [sflag:s1], $0x1000  }
0x37: {  	[sflag:s1] =	ssyncset.done $0x0  }
0x38: {  	[sflag:s1] =	ssyncadd.s32 $0xFFFFF000  }
0x39: {  	[spmem:s12] =	stream.linear.scatter [tilespmem:s31], [sflag:$0x1], $0x1000, $0x38;
	[tilespmem:$0x19100] =	vst v63  }
0x3a: {  	_ =	swait.ge [sflag:s1], $0x1000  }
0x3b: {  	[sflag:s1] =	ssyncset.done $0x0  }
0x3c: {  	[sflag:s1] =	ssyncadd.s32 $0xFFFFF000  }
0x3d: {  	[spmem:s13] =	stream.linear.scatter [tilespmem:s31], [sflag:$0x1], $0x1000, $0x38;
	[tilespmem:$0x19100] =	vst v63  }
0x3e: {  	_ =	swait.ge [sflag:s1], $0x1000  }
0x3f: {  	[sflag:s1] =	ssyncset.done $0x0  }
0x40: {  	[sflag:s1] =	ssyncadd.s32 $0xFFFFF000  }
0x41: {  	[spmem:s14] =	stream.linear.scatter [tilespmem:s31], [sflag:$0x1], $0x1000, $0x38;
	[tilespmem:$0x19100] =	vst v63  }
0x42: {  	_ =	swait.ge [sflag:s1], $0x1000  }
0x43: {  	[sflag:s1] =	ssyncset.done $0x0  }
0x44: {  	[sflag:s1] =	ssyncadd.s32 $0xFFFFF000  }
0x45: {  	[spmem:s15] =	stream.linear.scatter [tilespmem:s31], [sflag:$0x1], $0x1000, $0x38;
	[tilespmem:$0x19100] =	vst v63  }
0x46: {  	_ =	swait.ge [sflag:s1], $0x1000  }
0x47: {  	[sflag:s1] =	ssyncset.done $0x0  }
0x48: {  	[sflag:s1] =	ssyncadd.s32 $0xFFFFF000  }
0x49: {  	[spmem:s16] =	stream.linear.scatter [tilespmem:s31], [sflag:$0x1], $0x1000, $0x38;
	[tilespmem:$0x19100] =	vst v63  }
0x4a: {  	_ =	swait.ge [sflag:s1], $0x1000  }
0x4b: {  	[sflag:s1] =	ssyncset.done $0x0  }
0x4c: {  	[sflag:s1] =	ssyncadd.s32 $0xFFFFF000  }
0x4d: {  	[spmem:s17] =	stream.linear.scatter [tilespmem:s31], [sflag:$0x1], $0x1000, $0x38;
	[tilespmem:$0x19100] =	vst v63  }
0x4e: {  	_ =	swait.ge [sflag:s1], $0x1000  }
0x4f: {  	[sflag:s1] =	ssyncset.done $0x0  }
0x50: {  	[sflag:s1] =	ssyncadd.s32 $0xFFFFF000  }
0x51: {  	[spmem:s18] =	stream.linear.scatter [tilespmem:s31], [sflag:$0x1], $0x1000, $0x38;
	[tilespmem:$0x19100] =	vst v63  }
0x52: {  	_ =	swait.ge [sflag:s1], $0x1000  }
0x53: {  	[sflag:s1] =	ssyncset.done $0x0  }
0x54: {  	[sflag:s1] =	ssyncadd.s32 $0xFFFFF000  }
0x55: {  	[spmem:s19] =	stream.linear.scatter [tilespmem:s31], [sflag:$0x1], $0x1000, $0x38;
	[tilespmem:$0x19100] =	vst v63  }
0x56: {  	_ =	swait.ge [sflag:s1], $0x1000  }
0x57: {  	[sflag:s1] =	ssyncset.done $0x0  }
0x58: {  	[sflag:s1] =	ssyncadd.s32 $0xFFFFF000  }
0x59: {  	[spmem:s20] =	stream.linear.scatter [tilespmem:s31], [sflag:$0x1], $0x1000, $0x38;
	[tilespmem:$0x19100] =	vst v63  }
0x5a: {  	_ =	swait.ge [sflag:s1], $0x1000  }
0x5b: {  	[sflag:s1] =	ssyncset.done $0x0  }
0x5c: {  	[sflag:s1] =	ssyncadd.s32 $0xFFFFF000  }
0x5d: {  	[spmem:s21] =	stream.linear.scatter [tilespmem:s31], [sflag:$0x1], $0x1000, $0x38;
	[tilespmem:$0x19100] =	vst v63  }
0x5e: {  	_ =	swait.ge [sflag:s1], $0x1000  }
0x5f: {  	[sflag:s1] =	ssyncset.done $0x0  }
0x60: {  	[sflag:s1] =	ssyncadd.s32 $0xFFFFF000  }
0x61: {  	[spmem:s22] =	stream.linear.scatter [tilespmem:s31], [sflag:$0x1], $0x1000, $0x38;
	[tilespmem:$0x19100] =	vst v63  }
0x62: {  	_ =	swait.ge [sflag:s1], $0x1000  }
0x63: {  	[sflag:s1] =	ssyncset.done $0x0  }
0x64: {  	[sflag:s1] =	ssyncadd.s32 $0xFFFFF000  }
0x65: {  	[spmem:s25] =	stream.linear.scatter [tilespmem:s31], [sflag:$0x1], $0x1000, $0x38;
	[tilespmem:$0x19100] =	vst v63  }
0x66: {  	_ =	swait.ge [sflag:s1], $0x1000  }
0x67: {  	[sflag:s1] =	ssyncset.done $0x0  }
0x68: {  	[sflag:s1] =	ssyncadd.s32 $0xFFFFF000  }
0x69: {  	[spmem:s26] =	stream.linear.scatter [tilespmem:s31], [sflag:$0x1], $0x1000, $0x38;
	[tilespmem:$0x19100] =	vst v63  }
0x6a: {  	_ =	swait.ge [sflag:s1], $0x1000  }
0x6b: {  	[sflag:s1] =	ssyncset.done $0x0  }
0x6c: {  	[sflag:s1] =	ssyncadd.s32 $0xFFFFF000  }
0x6d: {  	[spmem:s28] =	stream.linear.scatter [tilespmem:s31], [sflag:$0x1], $0x1000, $0x38;
	[tilespmem:$0x19100] =	vst v63  }
0x6e: {  	_ =	swait.ge [sflag:s1], $0x1000  }
0x6f: {  	[sflag:s1] =	ssyncset.done $0x0  }
0x70: {  	[sflag:s1] =	ssyncadd.s32 $0xFFFFF000  }
0x71: {  	[spmem:s29] =	stream.linear.scatter [tilespmem:s31], [sflag:$0x1], $0x1000, $0x38;
	[tilespmem:$0x19100] =	vst v63  }
0x72: {  	_ =	swait.ge [sflag:s1], $0x1000  }
0x73: {  	[sflag:s1] =	ssyncset.done $0x0  }
0x74: {  	[sflag:s1] =	ssyncadd.s32 $0xFFFFF000  }
0x75: {  	[spmem:s30] =	stream.linear.scatter [tilespmem:s31], [sflag:$0x1], $0x1000, $0x38;
	[tilespmem:$0x19100] =	vst v63  }
0x76: {  	_ =	swait.ge [sflag:s1], $0x1000  }
0x77: {  	[sflag:s1] =	ssyncset.done $0x0  }
0x78: {  	[sflag:s1] =	ssyncadd.s32 $0xFFFFF000  }
0x79: {  	[bflag:$0x0] =	sbarrier.arrive $0xFFFF  }
0x7a: {  	[tilespmem:s4], [sflag:$0x1] =	stream.linear.gather [hbm4b:s11+s4], $0x80, $0x38;
	[tilespmem:$0x19100] =	vst v63  }
0x7b: {  	_ =	swait.ge [sflag:s1], $0x80  }
0x7c: {  	[sflag:s1] =	ssyncset.done $0x0  }
0x7d: {  	[sflag:s1] =	ssyncadd.s32 $0xFFFFFF80  }
0x7e: {  	[tilespmem:s2], [sflag:$0x1] =	stream.linear.gather [hbm4b:s10+s4], $0x80, $0x38;
	[tilespmem:$0x19100] =	vst v63  }
0x7f: {  	_ =	swait.ge [sflag:s1], $0x80  }
0x80: {  	[sflag:s1] =	ssyncset.done $0x0  }
0x81: {  	[sflag:s1] =	ssyncadd.s32 $0xFFFFFF80  }
0x82: {  	[tilespmem:s7], [sflag:$0x1] =	stream.indirect.gather [hbm4b:s0+s2], $0x80, s4, s2, $0xb8;
	[tilespmem:$0x19100] =	vst v63  }
0x83: {  	p0 =	sne.s32 s6, $0x1;
	_ =	swait.ge [sflag:s1], $0x4000  }
.Ltmp1:
0x84: {  	[sflag:s1] =	ssyncset.done $0x0;
	(pc) =	sbr.rel @!p0 .LBB2_5-.Ltmp1, $4  }
0x85: {  	[sflag:s1] =	ssyncadd.s32 $0xFFFFC000  }
0x86: {  	[spmem:s3] =	stream.indirect.scatter.add.f32 [tilespmem:s7], [sflag:$0x1], $0x80, s2, s2, $0xb8;
	[tilespmem:$0x19100] =	vst v63  }
0x87: {  	s9 =	sadd.s32 $0xFFFFFFFF, s6;
	_ =	swait.ge [sflag:s1], $0x4000  }
0x88: {  	s23 =	smov.u32 s10;
	s24 =	smov.u32 s11;
	[sflag:s1] =	ssyncset.done $0x0  }
.LBB2_4:
0x89: {  	[sflag:s1] =	ssyncadd.s32 $0xFFFFC000;
	s23 =	sadd.s32 $0x200, s23;
	s24 =	sadd.s32 $0x200, s24  }
0x8a: {  	[tilespmem:s4], [sflag:$0x1] =	stream.linear.gather [hbm4b:s24+s4], $0x80, $0x38;
	[tilespmem:$0x19100] =	vst v63  }
0x8b: {  	p0 =	sne.s32 s9, $0x1;
	s9 =	sadd.s32 $0xFFFFFFFF, s9;
	_ =	swait.ge [sflag:s1], $0x80  }
0x8c: {  	[sflag:s1] =	ssyncset.done $0x0  }
0x8d: {  	[sflag:s1] =	ssyncadd.s32 $0xFFFFFF80  }
0x8e: {  	[tilespmem:s2], [sflag:$0x1] =	stream.linear.gather [hbm4b:s23+s4], $0x80, $0x38;
	[tilespmem:$0x19100] =	vst v63  }
0x8f: {  	_ =	swait.ge [sflag:s1], $0x80  }
0x90: {  	[sflag:s1] =	ssyncset.done $0x0  }
0x91: {  	[sflag:s1] =	ssyncadd.s32 $0xFFFFFF80  }
0x92: {  	[tilespmem:s7], [sflag:$0x1] =	stream.indirect.gather [hbm4b:s0+s2], $0x80, s4, s2, $0xb8;
	[tilespmem:$0x19100] =	vst v63  }
0x93: {  	_ =	swait.ge [sflag:s1], $0x4000  }
.Ltmp2:
0x94: {  	[sflag:s1] =	ssyncset.done $0x0;
	(pc) =	sbr.rel @p0 .LBB2_4-.Ltmp2, $4  }
0x95: {  	[sflag:s1] =	ssyncadd.s32 $0xFFFFC000  }
0x96: {  	[spmem:s3] =	stream.indirect.scatter.add.f32 [tilespmem:s7], [sflag:$0x1], $0x80, s2, s2, $0xb8;
	[tilespmem:$0x19100] =	vst v63  }
0x97: {  	_ =	swait.ge [sflag:s1], $0x4000  }
0x98: {  	[sflag:s1] =	ssyncset.done $0x0  }
.LBB2_5:
0x99: {  	[sflag:s1] =	ssyncadd.s32 $0xFFFFC000;
	s9 =	stileid.u32  }
0x9a: {  	s9 =	sshll.u32 s9, $0x6;
	[bflag:$0x0] =	sbarrier.arrive $0xFFFF  }
0x9b: {  	s23 =	sshrl.u32 s5, $0x3;
	s9 =	sor.u32 $0x1C01, s9;
	s24 =	rddreg [dreg:$0x6]  }
0x9c: {  	[hbm:s24], [sflag:s9] =	dma.local [spmem:s23], $0x2800  }
0x9d: {  	_ =	swait.ge [sflag:s1], $0x2800  }
0x9e: {  	s8 =	sadd.s32 $0x1, s8;
	s24 =	rddreg [dreg:$0x7]  }
0x9f: {  	p0 =	sne.s32 s8, s24  }
.Ltmp3:
0xa0: {  	_ = 	snop;
	(pc) =	sbr.rel @p0 .LBB2_1-.Ltmp3, $3  }
0xa1: {  	_ =	sdelay $0x1  }
0xa2: {  	[sflag:s1] =	ssyncset.done $0x0  }
0xa3: {  	[sflag:s1] =	ssyncadd.s32 $0xFFFFD800  }
0xa4: {  	_ =	sfence.sel $0x180000  }
0xa5: {  	[bflag:$0x0] =	sbarrier.arrive $0xFFFF  }
0xa6: {  	_ =	strace $0x9000004D  }
0xa7: {  	s0 =	stileid.u32;
	[bflag:$0x2] =	sbarrier.arrive $0xFFFF  }
0xa8: {  	p0 =	sne.s32 s0, $0x0;
	s0 =	rddreg [dreg:$0x5]  }
0xa9: {  	s0 =	sadd.s32 @!p0 $0x100000, s0  }
0xaa: {  	[sflag:s0] =	ssyncadd.tile.s32 @!p0 $0x1;
	_ =	shalt  }
.Lfunc_end2:
_tile_overlayer_lowered:
.L_overlay_start_2:
0xab: {  	(tag) =	ssettag $0x2  }
0xac: {  	s0 =	rddreg [dreg:$0x0];
	s2 =	stileid.u32  }
0xad: {  	s1 =	rddreg [dreg:$0x1];
	p0 =	sne.s32 s2, $0x0  }
0xae: {  	s3 =	rddreg [dreg:$0x2];
	[bflag:$0x3] =	sbarrier.arrive $0xFFFF;
	s2 =	simm.s32 @!p0 $0x1C01  }
0xaf: {  	[timem:s3], [sflag:s2] =	dma.local @!p0 [hbm:s0], s1  }
0xb0: {  	s0 =	simm.s32 @!p0 $0x1  }
0xb1: {  	_ =	swait.ge @!p0 [sflag:s0], s1  }
0xb2: {  	s1 =	ssub.s32 @!p0 $0x0, s1;
	[sflag:s0] =	ssyncset.done @!p0 $0x0  }
0xb3: {  	[sflag:s0] =	ssyncadd.s32 @!p0 s1  }
0xb4: {  	[bflag:$0x3] =	sbarrier.arrive $0xFFFF  }
0xb5: {  	_ =	shalt  }

// kernel: _impl.7.cloned.1.call-start
scs
__scs_entry_jumppad:
0x0: {  	(pc) =	sbr.rel $0x88, $3  }
0x1: {  	(tag) =	ssettag $0x0;
	lr =	simm.s32 $0x1  }
0x2: {  	[smem:$0x3F98] =	sst lr;
	_ =	strace $0xD0000000  }
0x3: {  	_ = 	snop  }
0x4: {  	_ = 	snop  }
0x5: {  	_ = 	snop  }
0x6: {  	_ = 	snop  }
0x7: {  	_ = 	snop  }
__scs_overlays_trampoline_lowered:
0x8: {  	[smem:$0x3FA7] =	sst s0  }
0x9: {  	[smem:$0x3FA8] =	sst s1  }
0xa: {  	[smem:$0x3FA9] =	sst s2  }
0xb: {  	[smem:$0x3FAA] =	sst s3  }
0xc: {  	[smem:$0x3FAB] =	sst s4  }
0xd: {  	[smem:$0x3FAC] =	sst s5  }
0xe: {  	[smem:$0x3FAD] =	sst s6  }
0xf: {  	[smem:$0x3FAE] =	sst s7  }
0x10: {  	[smem:$0x3FAF] =	sst s8  }
0x11: {  	[smem:$0x3FB0] =	sst s9;
	s0 =	simm.s32 @!p0 $0x0  }
0x12: {  	s1 =	sld [smem:$0x3F96];
	s0 =	simm.s32 @p0 $0x1  }
0x13: {  	[smem:$0x3FB1] =	sst s0;
	s0 =	simm.s32 @!p1 $0x0  }
0x14: {  	s2 =	sld [smem:$0x3F95];
	s0 =	simm.s32 @p1 $0x1  }
0x15: {  	[smem:$0x3FB2] =	sst s0;
	s0 =	simm.s32 @!p2 $0x0  }
0x16: {  	s3 =	sld [smem:$0x3FDB];
	s0 =	simm.s32 @p2 $0x1  }
0x17: {  	s4 =	simm.s32 $0x1BF5;
	[smem:$0x3FB4] =	sst s0  }
0x18: {  	s0 =	sld [smem:$0x3F97];
	_ =	swait.ge [sflag:s4], $0x0  }
0x19: {  	s7 =	sld [smem:$0x3F98]  }
0x1a: {  	s8 =	sadd.s32 $0xFFFFE003, lr  }
0x1b: {  	s9 =	sadd.s32 $0xFFFFFEF7, lr;
	s5 =	simm.s32 $0xFFFFFFFF;
	p2 =	slt.u32 s8, $0xFFFFF086  }
0x1c: {  	p1 =	slt.u32 s9, $0xF7A;
	s5 =	simm.s32 @!p2 $0x0  }
0x1d: {  	s5 =	simm.s32 @p1 $0x1;
	p0 =	seq.s32 s7, s2  }
0x1e: {  	s7 =	smul.u32 @!p0 $0xF7A, s2;
	p2 =	seq.s32 @!p0 s5, $0x0  }
0x1f: {  	s9 =	smul.u32 $0xF7A, s1;
	s8 =	simm.s32 @!p0 $0x1BF5;
	p2 =	por !p2, p0  }
0x20: {  	[sflag:s8] =	ssyncset.s32 @!p0 $0xFFFFF086;
	s6 =	sadd.s32 @!p0 s3, s7;
	s7 =	simm.s32 @!p0 $0x108  }
0x21: {  	s3 =	sadd.s32 s3, s9;
	s6 =	sadd.s32 @!p0 $0x88, s6;
	s7 =	simm.s32 @p2 $0x1082  }
0x22: {  	[simem:s7], [sflag:s8] =	dma.local @!p0 [hbm:s6], $0xF7A  }
0x23: {  	s9 =	sor.u32 $0xD0000000, s2;
	s6 =	simm.s32 $0x108;
	_ =	swait.ge @!p0 [sflag:s8], $0x0  }
0x24: {  	s3 =	sadd.s32 $0x88, s3;
	s6 =	simm.s32 @!p1 $0x1082;
	[sflag:s4] =	ssyncset.s32 $0xFFFFF086  }
0x25: {  	[simem:s6], [sflag:s4] =	dma.local [hbm:s3], $0xF7A  }
0x26: {  	[smem:$0x3F98] =	sst s1;
	(tag) =	ssettag s2;
	_ =	strace s9  }
0x27: {  	s1 =	sld [smem:$0x3FA8]  }
0x28: {  	s2 =	sld [smem:$0x3FA9]  }
0x29: {  	s4 =	sld [smem:$0x3FAB]  }
0x2a: {  	p0 =	seq.s32 s5, $0x0;
	s5 =	sld [smem:$0x3FAC]  }
0x2b: {  	s6 =	sld [smem:$0x3FAD]  }
0x2c: {  	s7 =	sld [smem:$0x3FAE]  }
0x2d: {  	s3 =	simm.s32 $0x108;
	s8 =	sld [smem:$0x3FAF]  }
0x2e: {  	s3 =	simm.s32 @!p0 $0x1082;
	s9 =	sld [smem:$0x3FB0]  }
0x2f: {  	lr =	sadd.s32 s0, s3;
	s0 =	sld [smem:$0x3FA7]  }
0x30: {  	s3 =	sld [smem:$0x3FAA]  }
0x31: {  	[smem:$0x3FB3] =	sst s10  }
0x32: {  	s10 =	sld [smem:$0x3FB1];
	_ =	sdelay $0x3  }
0x33: {  	p0 =	seq.s32 s10, $0x1;
	s10 =	sld [smem:$0x3FB3];
	_ =	sdelay $0x3  }
0x34: {  	[smem:$0x3FB3] =	sst s10  }
0x35: {  	s10 =	sld [smem:$0x3FB2];
	_ =	sdelay $0x3  }
0x36: {  	p1 =	seq.s32 s10, $0x1;
	s10 =	sld [smem:$0x3FB3];
	_ =	sdelay $0x3  }
0x37: {  	[smem:$0x3FB3] =	sst s10  }
0x38: {  	s10 =	sld [smem:$0x3FB4]  }
0x39: {  	_ = 	snop;
	(pc) =	sbr.ind lr, $3  }
0x3a: {  	_ = 	snop  }
0x3b: {  	_ = 	snop  }
0x3c: {  	p2 =	seq.s32 s10, $0x1;
	s10 =	sld [smem:$0x3FB3]  }
0x3d: {  	_ =	shalt  }
0x3e: {  	_ =	shalt  }
0x3f: {  	_ =	shalt  }
0x40: {  	_ =	shalt  }
0x41: {  	_ =	shalt  }
0x42: {  	_ =	shalt  }
0x43: {  	_ =	shalt  }
0x44: {  	_ =	shalt  }
0x45: {  	_ =	shalt  }
0x46: {  	_ =	shalt  }
0x47: {  	_ =	shalt  }
0x48: {  	_ =	shalt  }
0x49: {  	_ =	shalt  }
0x4a: {  	_ =	shalt  }
0x4b: {  	_ =	shalt  }
0x4c: {  	_ =	shalt  }
0x4d: {  	_ =	shalt  }
0x4e: {  	_ =	shalt  }
0x4f: {  	_ =	shalt  }
0x50: {  	_ =	shalt  }
0x51: {  	_ =	shalt  }
0x52: {  	_ =	shalt  }
0x53: {  	_ =	shalt  }
0x54: {  	_ =	shalt  }
0x55: {  	_ =	shalt  }
0x56: {  	_ =	shalt  }
0x57: {  	_ =	shalt  }
0x58: {  	_ =	shalt  }
0x59: {  	_ =	shalt  }
0x5a: {  	_ =	shalt  }
0x5b: {  	_ =	shalt  }
0x5c: {  	_ =	shalt  }
0x5d: {  	_ =	shalt  }
0x5e: {  	_ =	shalt  }
0x5f: {  	_ =	shalt  }
0x60: {  	_ =	shalt  }
0x61: {  	_ =	shalt  }
0x62: {  	_ =	shalt  }
0x63: {  	_ =	shalt  }
0x64: {  	_ =	shalt  }
0x65: {  	_ =	shalt  }
0x66: {  	_ =	shalt  }
0x67: {  	_ =	shalt  }
0x68: {  	_ =	shalt  }
0x69: {  	_ =	shalt  }
0x6a: {  	_ =	shalt  }
0x6b: {  	_ =	shalt  }
0x6c: {  	_ =	shalt  }
0x6d: {  	_ =	shalt  }
0x6e: {  	_ =	shalt  }
0x6f: {  	_ =	shalt  }
0x70: {  	_ =	shalt  }
0x71: {  	_ =	shalt  }
0x72: {  	_ =	shalt  }
0x73: {  	_ =	shalt  }
0x74: {  	_ =	shalt  }
0x75: {  	_ =	shalt  }
0x76: {  	_ =	shalt  }
0x77: {  	_ =	shalt  }
0x78: {  	_ =	shalt  }
0x79: {  	_ =	shalt  }
0x7a: {  	_ =	shalt  }
0x7b: {  	_ =	shalt  }
0x7c: {  	_ =	shalt  }
0x7d: {  	_ =	shalt  }
0x7e: {  	_ =	shalt  }
0x7f: {  	_ =	shalt  }
0x80: {  	_ =	shalt  }
0x81: {  	_ =	shalt  }
0x82: {  	_ =	shalt  }
0x83: {  	_ =	shalt  }
0x84: {  	_ =	shalt  }
0x85: {  	_ =	shalt  }
0x86: {  	_ =	shalt  }
0x87: {  	_ =	shalt  }
.Lfunc_end0:
.L_simem_size_0:
called_computation_lowered:
.L_overlay_start_0:
0x88: {  	s2 =	sld [smem:$0x3FD9]  }
0x89: {  	s3 =	sld [smem:$0x3FFE];
	_ =	sdelay $0x1  }
0x8a: {  	s1 =	srdreg.scid  }
0x8b: {  	s0 =	sand.u32 $0x1, s1  }
0x8c: {  	s17 =	sshll.u32 s0, $0xA;
	s2 =	sadd.s32 s3, s2  }
0x8d: {  	s2 =	sadd.s32 s2, s17  }
0x8e: {  	[smem:$0x3FBF] =	sst s2  }
0x8f: {  	_ = 	snop  }
0x90: {  	s18 =	sld [smem:$0x3FC9]  }
0x91: {  	s4 =	sld [smem:$0x3FC8]  }
0x92: {  	s5 =	sld [smem:$0x3FC7];
	(tm) =	ssettm $0x1  }
0x93: {  	s19 =	sld [smem:$0x3FFB];
	_ =	sdelay $0x3  }
0x94: {  	_ =	strace s19  }
0x95: {  	s2 =	sld [smem:$0x3FFC];
	_ =	sdelay $0x3  }
0x96: {  	_ =	strace s2  }
0x97: {  	s2 =	sld [smem:$0x3FFD];
	_ =	sdelay $0x3  }
0x98: {  	_ =	strace s2  }
0x99: {  	_ =	strace $0x8FFFFFFF  }
0x9a: {  	s20 =	sld [smem:$0x3FDB];
	_ =	sdelay $0x1  }
0x9b: {  	s6 =	simm.s32 $_scs_section_size  }
0x9c: {  	s7 =	simm.s32 $_size__tile_overlayer_lowered;
	s8 =	simm.s32 $_tile_overlayer_lowered  }
0x9d: {  	s9 =	simm.s32 $0x1BFF;
	s21 =	sshll.u32 s8, $0x1;
	s6 =	sadd.s32 s6, s20  }
0x9e: {  	s22 =	simm.s32 $0x0;
	s7 =	sshll.u32 s7, $0x1;
	s8 =	sadd.s32 s21, s6  }
0x9f: {  	[timem:s22], [sflag:s9] =	dma.local [hbm:s8], s7  }
0xa0: {  	_ =	swait.ge [sflag:s9], s7  }
0xa1: {  	s7 =	ssub.s32 $0x0, s7;
	[sflag:s9] =	ssyncset.done $0x0  }
0xa2: {  	[sflag:s9] =	ssyncadd.s32 s7;
	_ =	sdelay $0x1  }
0xa3: {  	s23 =	simm.s32 $0x1B8B  }
0xa4: {  	_ =	swait.ge [sflag:s23], $0x1  }
0xa5: {  	[sflag:s23] =	ssyncset.done $0x0  }
0xa6: {  	[sflag:s23] =	ssyncadd.s32 $0xFFFFFFFF  }
0xa7: {  	s7 =	sld [smem:$0x0]  }
0xa8: {  	s8 =	sand.u32 $0xFFFFFFFE, s1  }
0xa9: {  	p0 =	sne.s32 s1, s8  }
0xaa: {  	s8 =	sshll.u32 @p0 s8, $0xE  }
0xab: {  	s8 =	sadd.s32 @p0 $0x11B8D, s8;
	s9 =	sshll.u32 @p0 s7, $0x11  }
0xac: {  	s8 =	sor.u32 @p0 s9, s8  }
0xad: {  	[sflag:s8] =	ssyncadd.remote.s32 @p0 $0x1;
	_ =	sdelay $0x1  }
0xae: {  	s8 =	simm.s32 @p0 $0x1B8D  }
0xaf: {  	_ =	swait.eq @p0 [sflag:s8], $0x1  }
0xb0: {  	[sflag:s8] =	ssyncadd.s32 @p0 $0xFFFFFFFF  }
0xb1: {  	s9 =	sshll.u32 @!p0 s1, $0xE  }
0xb2: {  	s9 =	sor.u32 @!p0 $0x4000, s9;
	s8 =	simm.s32 @!p0 $0x1B8D  }
0xb3: {  	s7 =	sshll.u32 @!p0 s7, $0x11;
	s9 =	sadd.s32 @!p0 $0x11B8D, s9;
	_ =	swait.eq @!p0 [sflag:s8], $0x1  }
0xb4: {  	s7 =	sor.u32 @!p0 s7, s9;
	[sflag:s8] =	ssyncadd.s32 @!p0 $0xFFFFFFFF  }
0xb5: {  	s25 =	simm.s32 $0x1B8E;
	s24 =	sld [smem:$0x3FFE];
	[sflag:s7] =	ssyncadd.remote.s32 @!p0 $0x1  }
0xb6: {  	s26 =	simm.s32 $execute0_lowered;
	[smem:$0x3FD2] =	sst s25  }
0xb7: {  	s8 =	sshll.u32 s26, $0x1;
	_ =	strace $0x80000049;
	[dreg:$0x1] =	wrdreg $0xFFFFFFFF  }
0xb8: {  	s28 =	simm.s32 $_size_execute0_lowered;
	s6 =	sadd.s32 s6, s8;
	[dreg:$0x0] =	wrdreg $0x0  }
0xb9: {  	s8 =	sshll.u32 s28, $0x1;
	[dreg:$0x2] =	wrdreg s6  }
0xba: {  	[dreg:$0x3] =	wrdreg s8  }
0xbb: {  	[dreg:$0x4] =	wrdreg $0xC0  }
0xbc: {  	_ =	task [dreg:s22], $0x5FFFF  }
0xbd: {  	[dreg:$0x1] =	wrdreg $0xFFFFFFFF  }
0xbe: {  	[dreg:$0x0] =	wrdreg $0x60  }
0xbf: {  	[dreg:$0x2] =	wrdreg s18  }
0xc0: {  	[dreg:$0x3] =	wrdreg s4  }
0xc1: {  	[dreg:$0x4] =	wrdreg s5  }
0xc2: {  	[dreg:$0x5] =	wrdreg s24  }
0xc3: {  	[dreg:$0x6] =	wrdreg $0x51000  }
0xc4: {  	[dreg:$0x7] =	wrdreg $0x9  }
0xc5: {  	_ =	task.clear_ibuf [dreg:s22], $0x8FFFF;
	_ =	strace $0x90000049  }
0xc6: {  	s29 =	simm.s32 $0x9;
	_ =	strace $0x8000004B  }
0xc7: {  	_ =	swait.ge [sflag:s29], $0x1  }
0xc8: {  	[sflag:s29] =	ssyncadd.s32 $0xFFFFFFFF  }
0xc9: {  	_ =	strace $0x9000004B  }
0xca: {  	_ =	sfence  }
0xcb: {  	s30 =	sld [smem:$0x0];
	_ =	sdelay $0x2  }
0xcc: {  	s31 =	sshll.u32 s1, $0xD;
	s1 =	sshrl.u32 s1, $0x2  }
0xcd: {  	s4 =	sand.u32 $0x4000, s31;
	s1 =	sadd.s32 s1, s30  }
0xce: {  	s0 =	sor.u32 s4, s0;
	s1 =	sshll.u32 s1, $0x11  }
0xcf: {  	s0 =	sor.u32 s1, s0  }
0xd0: {  	s0 =	sadd.s32 $0x8F2B, s0  }
0xd1: {  	[sflag:s0] =	ssyncadd.remote.s32 $0x1  }
0xd2: {  	_ =	sfence.sel $0xFFFF  }
0xd3: {  	[dreg:$0x0] =	wrdreg $0xFFFFFFFF;
	(pc) =	sbr.abs _section_cstart, $3  }
0xd4: {  	[dreg:$0x1] =	wrdreg $0xFFFFFFFF  }
0xd5: {  	_ =	task.clear_ibuf [dreg:s22], $0x2FFFF;
	_ =	strace $0x9FFFFFFF  }
0xd6: {  	(tm) =	ssettm $0x7FFFFFFF  }
0xd7: {  	_ =	shalt  }
tec
execute0_lowered:
.L_overlay_start_1:
0x0: {  	(tag) =	ssettag $0x1  }
0x1: {  	s0 =	rddreg [dreg:$0x0]  }
0x2: {  	s1 =	rddreg [dreg:$0x1]  }
0x3: {  	s2 =	rddreg [dreg:$0x2]  }
0x4: {  	s5 =	rddreg [dreg:$0x3];
	s4 =	srdreg.scid  }
0x5: {  	s3 =	rddreg [dreg:$0x4];
	s12 =	stileid.u32;
	s31 =	simm.s32 $0x4100  }
0x6: {  	s7 =	sand.u32 $0x1, s4;
	s4 =	simm.s32 $0x0;
	s8 =	smul.u32 $0x14000, s12  }
0x7: {  	s9 =	smul.u32 $0x50000, s12;
	p0 =	slt.u32 s12, $0x2;
	s22 =	sshll.u32 s12, $0x8  }
0x8: {  	s6 =	smul.u32 $0x140000, s7;
	[smem:$0x7FF] =	sst s4;
	s20 =	ssub.s32 $0x2, s7  }
0x9: {  	s7 =	sshll.u32 s7, $0x7;
	_ =	strace $0x8000004A;
	s10 =	sshrl.u32 s20, $0x1  }
0xa: {  	s21 =	sshrl.u32 s9, $0x2;
	s7 =	sor.u32 s7, s22;
	s6 =	sadd.s32 s8, s6  }
0xb: {  	s8 =	ssub.s32 s20, s10;
	s7 =	sshrl.u32 s7, $0x3;
	s6 =	sshrl.u32 s6, $0x3  }
0xc: {  	s8 =	smax.u32 s8, $0x1;
	s10 =	sadd.s32 s7, s2;
	s2 =	simm.s32 $0x80  }
0xd: {  	s11 =	sadd.s32 s6, s5;
	s5 =	sadd.s32 s21, s3;
	s6 =	simm.s32 $0x4F  }
0xe: {  	[dreg:$0x7] =	wrdreg s8;
	s8 =	simm.s32 $0x0;
	s6 =	simm.s32 @!p0 $0x4E  }
0xf: {  	s23 =	sadd.s32 $0x2600, s11;
	s24 =	sadd.s32 $0x1000, s5;
	s25 =	sadd.s32 $0x2000, s5  }
0x10: {  	s26 =	sadd.s32 $0x3000, s5;
	s12 =	sadd.s32 $0x4000, s5;
	s13 =	sadd.s32 $0x5000, s5  }
0x11: {  	s14 =	sadd.s32 $0x6000, s5;
	s15 =	sadd.s32 $0x7000, s5;
	s16 =	sadd.s32 $0x8000, s5  }
0x12: {  	s17 =	sadd.s32 $0x9000, s5;
	s18 =	sadd.s32 $0xA000, s5;
	s19 =	sadd.s32 $0xB000, s5  }
0x13: {  	s20 =	sadd.s32 $0xC000, s5;
	s21 =	sadd.s32 $0xD000, s5;
	s22 =	sadd.s32 $0xE000, s5  }
0x14: {  	s11 =	sadd.s32 s7, s1;
	s28 =	sadd.s32 $0x11000, s5;
	[dreg:$0x6] =	wrdreg s23  }
0x15: {  	s29 =	sadd.s32 $0x12000, s5;
	s30 =	sadd.s32 $0x13000, s5;
	[dreg:$0x8] =	wrdreg s24  }
0x16: {  	s1 =	simm.s32 $0x1;
	s7 =	simm.s32 $0x100;
	[dreg:$0x9] =	wrdreg s25  }
0x17: {  	v0 =	vimm.f32 $0.0e+00;
	[dreg:$0xa] =	wrdreg s26;
	s25 =	sadd.s32 $0xF000, s5;
	s26 =	sadd.s32 $0x10000, s5  }
.LBB2_1:
0x18: {  	s9 =	simm.s32 $0x0;
	s23 =	simm.s32 $0x200  }
.LBB2_2:
0x19: {  	p0 =	sne.s32 s23, $0x3E00;
	[tilespmem:s9+$0x4170] =	vst v0  }
0x1a: {  	[tilespmem:s9+$0x4100] =	vst v0  }
0x1b: {  	[tilespmem:s9+$0x4110] =	vst v0  }
.Ltmp0:
0x1c: {  	[tilespmem:s9+$0x4120] =	vst v0;
	(pc) =	sbr.rel @p0 .LBB2_2-.Ltmp0, $4  }
0x1d: {  	[tilespmem:s9+$0x4130] =	vst v0  }
0x1e: {  	[tilespmem:s9+$0x4140] =	vst v0  }
0x1f: {  	[tilespmem:s9+$0x4150] =	vst v0  }
0x20: {  	[tilespmem:s9+$0x4160] =	vst v0;
	s9 =	sshra.s32 s23, $0x2;
	s23 =	sadd.s32 $0x200, s23  }
0x21: {  	[tilespmem:s9+$0x4170] =	vst v0  }
0x22: {  	[tilespmem:s9+$0x4100] =	vst v0  }
0x23: {  	[tilespmem:s9+$0x4110] =	vst v0  }
0x24: {  	[tilespmem:s9+$0x4120] =	vst v0  }
0x25: {  	[tilespmem:s9+$0x4130] =	vst v0  }
0x26: {  	[tilespmem:s9+$0x4140] =	vst v0  }
0x27: {  	[tilespmem:s9+$0x4150] =	vst v0  }
0x28: {  	[tilespmem:s9+$0x4160] =	vst v0  }
0x29: {  	[spmem:s5] =	stream.linear.scatter [tilespmem:s31], [sflag:$0x1], $0x1000, $0x38;
	[tilespmem:$0x19100] =	vst v63  }
0x2a: {  	_ =	swait.ge [sflag:s1], $0x1000  }
0x2b: {  	[sflag:s1] =	ssyncset.done $0x0  }
0x2c: {  	s24 =	rddreg [dreg:$0x8];
	[sflag:s1] =	ssyncadd.s32 $0xFFFFF000  }
0x2d: {  	[spmem:s24] =	stream.linear.scatter [tilespmem:s31], [sflag:$0x1], $0x1000, $0x38;
	[tilespmem:$0x19100] =	vst v63  }
0x2e: {  	_ =	swait.ge [sflag:s1], $0x1000  }
0x2f: {  	[sflag:s1] =	ssyncset.done $0x0  }
0x30: {  	s23 =	rddreg [dreg:$0x9];
	[sflag:s1] =	ssyncadd.s32 $0xFFFFF000  }
0x31: {  	[spmem:s23] =	stream.linear.scatter [tilespmem:s31], [sflag:$0x1], $0x1000, $0x38;
	[tilespmem:$0x19100] =	vst v63  }
0x32: {  	_ =	swait.ge [sflag:s1], $0x1000  }
0x33: {  	[sflag:s1] =	ssyncset.done $0x0  }
0x34: {  	s24 =	rddreg [dreg:$0xa];
	[sflag:s1] =	ssyncadd.s32 $0xFFFFF000  }
0x35: {  	[spmem:s24] =	stream.linear.scatter [tilespmem:s31], [sflag:$0x1], $0x1000, $0x38;
	[tilespmem:$0x19100] =	vst v63  }
0x36: {  	_ =	swait.ge [sflag:s1], $0x1000  }
0x37: {  	[sflag:s1] =	ssyncset.done $0x0  }
0x38: {  	[sflag:s1] =	ssyncadd.s32 $0xFFFFF000  }
0x39: {  	[spmem:s12] =	stream.linear.scatter [tilespmem:s31], [sflag:$0x1], $0x1000, $0x38;
	[tilespmem:$0x19100] =	vst v63  }
0x3a: {  	_ =	swait.ge [sflag:s1], $0x1000  }
0x3b: {  	[sflag:s1] =	ssyncset.done $0x0  }
0x3c: {  	[sflag:s1] =	ssyncadd.s32 $0xFFFFF000  }
0x3d: {  	[spmem:s13] =	stream.linear.scatter [tilespmem:s31], [sflag:$0x1], $0x1000, $0x38;
	[tilespmem:$0x19100] =	vst v63  }
0x3e: {  	_ =	swait.ge [sflag:s1], $0x1000  }
0x3f: {  	[sflag:s1] =	ssyncset.done $0x0  }
0x40: {  	[sflag:s1] =	ssyncadd.s32 $0xFFFFF000  }
0x41: {  	[spmem:s14] =	stream.linear.scatter [tilespmem:s31], [sflag:$0x1], $0x1000, $0x38;
	[tilespmem:$0x19100] =	vst v63  }
0x42: {  	_ =	swait.ge [sflag:s1], $0x1000  }
0x43: {  	[sflag:s1] =	ssyncset.done $0x0  }
0x44: {  	[sflag:s1] =	ssyncadd.s32 $0xFFFFF000  }
0x45: {  	[spmem:s15] =	stream.linear.scatter [tilespmem:s31], [sflag:$0x1], $0x1000, $0x38;
	[tilespmem:$0x19100] =	vst v63  }
0x46: {  	_ =	swait.ge [sflag:s1], $0x1000  }
0x47: {  	[sflag:s1] =	ssyncset.done $0x0  }
0x48: {  	[sflag:s1] =	ssyncadd.s32 $0xFFFFF000  }
0x49: {  	[spmem:s16] =	stream.linear.scatter [tilespmem:s31], [sflag:$0x1], $0x1000, $0x38;
	[tilespmem:$0x19100] =	vst v63  }
0x4a: {  	_ =	swait.ge [sflag:s1], $0x1000  }
0x4b: {  	[sflag:s1] =	ssyncset.done $0x0  }
0x4c: {  	[sflag:s1] =	ssyncadd.s32 $0xFFFFF000  }
0x4d: {  	[spmem:s17] =	stream.linear.scatter [tilespmem:s31], [sflag:$0x1], $0x1000, $0x38;
	[tilespmem:$0x19100] =	vst v63  }
0x4e: {  	_ =	swait.ge [sflag:s1], $0x1000  }
0x4f: {  	[sflag:s1] =	ssyncset.done $0x0  }
0x50: {  	[sflag:s1] =	ssyncadd.s32 $0xFFFFF000  }
0x51: {  	[spmem:s18] =	stream.linear.scatter [tilespmem:s31], [sflag:$0x1], $0x1000, $0x38;
	[tilespmem:$0x19100] =	vst v63  }
0x52: {  	_ =	swait.ge [sflag:s1], $0x1000  }
0x53: {  	[sflag:s1] =	ssyncset.done $0x0  }
0x54: {  	[sflag:s1] =	ssyncadd.s32 $0xFFFFF000  }
0x55: {  	[spmem:s19] =	stream.linear.scatter [tilespmem:s31], [sflag:$0x1], $0x1000, $0x38;
	[tilespmem:$0x19100] =	vst v63  }
0x56: {  	_ =	swait.ge [sflag:s1], $0x1000  }
0x57: {  	[sflag:s1] =	ssyncset.done $0x0  }
0x58: {  	[sflag:s1] =	ssyncadd.s32 $0xFFFFF000  }
0x59: {  	[spmem:s20] =	stream.linear.scatter [tilespmem:s31], [sflag:$0x1], $0x1000, $0x38;
	[tilespmem:$0x19100] =	vst v63  }
0x5a: {  	_ =	swait.ge [sflag:s1], $0x1000  }
0x5b: {  	[sflag:s1] =	ssyncset.done $0x0  }
0x5c: {  	[sflag:s1] =	ssyncadd.s32 $0xFFFFF000  }
0x5d: {  	[spmem:s21] =	stream.linear.scatter [tilespmem:s31], [sflag:$0x1], $0x1000, $0x38;
	[tilespmem:$0x19100] =	vst v63  }
0x5e: {  	_ =	swait.ge [sflag:s1], $0x1000  }
0x5f: {  	[sflag:s1] =	ssyncset.done $0x0  }
0x60: {  	[sflag:s1] =	ssyncadd.s32 $0xFFFFF000  }
0x61: {  	[spmem:s22] =	stream.linear.scatter [tilespmem:s31], [sflag:$0x1], $0x1000, $0x38;
	[tilespmem:$0x19100] =	vst v63  }
0x62: {  	_ =	swait.ge [sflag:s1], $0x1000  }
0x63: {  	[sflag:s1] =	ssyncset.done $0x0  }
0x64: {  	[sflag:s1] =	ssyncadd.s32 $0xFFFFF000  }
0x65: {  	[spmem:s25] =	stream.linear.scatter [tilespmem:s31], [sflag:$0x1], $0x1000, $0x38;
	[tilespmem:$0x19100] =	vst v63  }
0x66: {  	_ =	swait.ge [sflag:s1], $0x1000  }
0x67: {  	[sflag:s1] =	ssyncset.done $0x0  }
0x68: {  	[sflag:s1] =	ssyncadd.s32 $0xFFFFF000  }
0x69: {  	[spmem:s26] =	stream.linear.scatter [tilespmem:s31], [sflag:$0x1], $0x1000, $0x38;
	[tilespmem:$0x19100] =	vst v63  }
0x6a: {  	_ =	swait.ge [sflag:s1], $0x1000  }
0x6b: {  	[sflag:s1] =	ssyncset.done $0x0  }
0x6c: {  	[sflag:s1] =	ssyncadd.s32 $0xFFFFF000  }
0x6d: {  	[spmem:s28] =	stream.linear.scatter [tilespmem:s31], [sflag:$0x1], $0x1000, $0x38;
	[tilespmem:$0x19100] =	vst v63  }
0x6e: {  	_ =	swait.ge [sflag:s1], $0x1000  }
0x6f: {  	[sflag:s1] =	ssyncset.done $0x0  }
0x70: {  	[sflag:s1] =	ssyncadd.s32 $0xFFFFF000  }
0x71: {  	[spmem:s29] =	stream.linear.scatter [tilespmem:s31], [sflag:$0x1], $0x1000, $0x38;
	[tilespmem:$0x19100] =	vst v63  }
0x72: {  	_ =	swait.ge [sflag:s1], $0x1000  }
0x73: {  	[sflag:s1] =	ssyncset.done $0x0  }
0x74: {  	[sflag:s1] =	ssyncadd.s32 $0xFFFFF000  }
0x75: {  	[spmem:s30] =	stream.linear.scatter [tilespmem:s31], [sflag:$0x1], $0x1000, $0x38;
	[tilespmem:$0x19100] =	vst v63  }
0x76: {  	_ =	swait.ge [sflag:s1], $0x1000  }
0x77: {  	[sflag:s1] =	ssyncset.done $0x0  }
0x78: {  	[sflag:s1] =	ssyncadd.s32 $0xFFFFF000  }
0x79: {  	[bflag:$0x0] =	sbarrier.arrive $0xFFFF  }
0x7a: {  	[tilespmem:s4], [sflag:$0x1] =	stream.linear.gather [hbm4b:s11+s4], $0x80, $0x38;
	[tilespmem:$0x19100] =	vst v63  }
0x7b: {  	_ =	swait.ge [sflag:s1], $0x80  }
0x7c: {  	[sflag:s1] =	ssyncset.done $0x0  }
0x7d: {  	[sflag:s1] =	ssyncadd.s32 $0xFFFFFF80  }
0x7e: {  	[tilespmem:s2], [sflag:$0x1] =	stream.linear.gather [hbm4b:s10+s4], $0x80, $0x38;
	[tilespmem:$0x19100] =	vst v63  }
0x7f: {  	_ =	swait.ge [sflag:s1], $0x80  }
0x80: {  	[sflag:s1] =	ssyncset.done $0x0  }
0x81: {  	[sflag:s1] =	ssyncadd.s32 $0xFFFFFF80  }
0x82: {  	[tilespmem:s7], [sflag:$0x1] =	stream.indirect.gather [hbm4b:s0+s2], $0x80, s4, s2, $0xb8;
	[tilespmem:$0x19100] =	vst v63  }
0x83: {  	p0 =	sne.s32 s6, $0x1;
	_ =	swait.ge [sflag:s1], $0x4000  }
.Ltmp1:
0x84: {  	[sflag:s1] =	ssyncset.done $0x0;
	(pc) =	sbr.rel @!p0 .LBB2_5-.Ltmp1, $4  }
0x85: {  	[sflag:s1] =	ssyncadd.s32 $0xFFFFC000  }
0x86: {  	[spmem:s3] =	stream.indirect.scatter.add.f32 [tilespmem:s7], [sflag:$0x1], $0x80, s2, s2, $0xb8;
	[tilespmem:$0x19100] =	vst v63  }
0x87: {  	s9 =	sadd.s32 $0xFFFFFFFF, s6;
	_ =	swait.ge [sflag:s1], $0x4000  }
0x88: {  	s23 =	smov.u32 s10;
	s24 =	smov.u32 s11;
	[sflag:s1] =	ssyncset.done $0x0  }
.LBB2_4:
0x89: {  	[sflag:s1] =	ssyncadd.s32 $0xFFFFC000;
	s23 =	sadd.s32 $0x200, s23;
	s24 =	sadd.s32 $0x200, s24  }
0x8a: {  	[tilespmem:s4], [sflag:$0x1] =	stream.linear.gather [hbm4b:s24+s4], $0x80, $0x38;
	[tilespmem:$0x19100] =	vst v63  }
0x8b: {  	p0 =	sne.s32 s9, $0x1;
	s9 =	sadd.s32 $0xFFFFFFFF, s9;
	_ =	swait.ge [sflag:s1], $0x80  }
0x8c: {  	[sflag:s1] =	ssyncset.done $0x0  }
0x8d: {  	[sflag:s1] =	ssyncadd.s32 $0xFFFFFF80  }
0x8e: {  	[tilespmem:s2], [sflag:$0x1] =	stream.linear.gather [hbm4b:s23+s4], $0x80, $0x38;
	[tilespmem:$0x19100] =	vst v63  }
0x8f: {  	_ =	swait.ge [sflag:s1], $0x80  }
0x90: {  	[sflag:s1] =	ssyncset.done $0x0  }
0x91: {  	[sflag:s1] =	ssyncadd.s32 $0xFFFFFF80  }
0x92: {  	[tilespmem:s7], [sflag:$0x1] =	stream.indirect.gather [hbm4b:s0+s2], $0x80, s4, s2, $0xb8;
	[tilespmem:$0x19100] =	vst v63  }
0x93: {  	_ =	swait.ge [sflag:s1], $0x4000  }
.Ltmp2:
0x94: {  	[sflag:s1] =	ssyncset.done $0x0;
	(pc) =	sbr.rel @p0 .LBB2_4-.Ltmp2, $4  }
0x95: {  	[sflag:s1] =	ssyncadd.s32 $0xFFFFC000  }
0x96: {  	[spmem:s3] =	stream.indirect.scatter.add.f32 [tilespmem:s7], [sflag:$0x1], $0x80, s2, s2, $0xb8;
	[tilespmem:$0x19100] =	vst v63  }
0x97: {  	_ =	swait.ge [sflag:s1], $0x4000  }
0x98: {  	[sflag:s1] =	ssyncset.done $0x0  }
.LBB2_5:
0x99: {  	[sflag:s1] =	ssyncadd.s32 $0xFFFFC000;
	s9 =	stileid.u32  }
0x9a: {  	s9 =	sshll.u32 s9, $0x6;
	[bflag:$0x0] =	sbarrier.arrive $0xFFFF  }
0x9b: {  	s23 =	sshrl.u32 s5, $0x3;
	s9 =	sor.u32 $0x1C01, s9;
	s24 =	rddreg [dreg:$0x6]  }
0x9c: {  	[hbm:s24], [sflag:s9] =	dma.local [spmem:s23], $0x2800  }
0x9d: {  	_ =	swait.ge [sflag:s1], $0x2800  }
0x9e: {  	s8 =	sadd.s32 $0x1, s8;
	s24 =	rddreg [dreg:$0x7]  }
0x9f: {  	p0 =	sne.s32 s8, s24  }
.Ltmp3:
0xa0: {  	_ = 	snop;
	(pc) =	sbr.rel @p0 .LBB2_1-.Ltmp3, $3  }
0xa1: {  	_ =	sdelay $0x1  }
0xa2: {  	[sflag:s1] =	ssyncset.done $0x0  }
0xa3: {  	[sflag:s1] =	ssyncadd.s32 $0xFFFFD800  }
0xa4: {  	_ =	sfence.sel $0x180000  }
0xa5: {  	[bflag:$0x0] =	sbarrier.arrive $0xFFFF  }
0xa6: {  	_ =	strace $0x9000004A  }
0xa7: {  	s0 =	stileid.u32;
	[bflag:$0x2] =	sbarrier.arrive $0xFFFF  }
0xa8: {  	p0 =	sne.s32 s0, $0x0;
	s0 =	rddreg [dreg:$0x5]  }
0xa9: {  	s0 =	sadd.s32 @!p0 $0x100000, s0  }
0xaa: {  	[sflag:s0] =	ssyncadd.tile.s32 @!p0 $0x1;
	_ =	shalt  }
.Lfunc_end2:
_tile_overlayer_lowered:
.L_overlay_start_2:
0xab: {  	(tag) =	ssettag $0x2  }
0xac: {  	s0 =	rddreg [dreg:$0x0];
	s2 =	stileid.u32  }
0xad: {  	s1 =	rddreg [dreg:$0x1];
	p0 =	sne.s32 s2, $0x0  }
0xae: {  	s3 =	rddreg [dreg:$0x2];
	[bflag:$0x3] =	sbarrier.arrive $0xFFFF;
	s2 =	simm.s32 @!p0 $0x1C01  }
0xaf: {  	[timem:s3], [sflag:s2] =	dma.local @!p0 [hbm:s0], s1  }
0xb0: {  	s0 =	simm.s32 @!p0 $0x1  }
0xb1: {  	_ =	swait.ge @!p0 [sflag:s0], s1  }
0xb2: {  	s1 =	ssub.s32 @!p0 $0x0, s1;
	[sflag:s0] =	ssyncset.done @!p0 $0x0  }
0xb3: {  	[sflag:s0] =	ssyncadd.s32 @!p0 s1  }
0xb4: {  	[bflag:$0x3] =	sbarrier.arrive $0xFFFF  }
0xb5: {  	_ =	shalt  }

</sc_bundles>
